<compile_context>
chip_gen: v7x
topology: tpu7x:2x2x1
jax: 0.10.2.dev20260603
libtpu: 0.0.44.dev20260713+nightly
codegen_flags: <defaults>
</compile_context>

<pallas_src>
import functools

import jax
import jax.numpy as jnp
from jax import lax
from jax.experimental import pallas as pl
from jax.experimental.pallas import tpu as pltpu
from jax.experimental.pallas import tpu_sc as plsc

N_POINTS = 320000
D = 128
BLK = 128
NBLKS = N_POINTS // BLK
NW = 32
BPW = -(-NBLKS // NW)
BPW_PAD = 80
NBUF = 5
ROWS_PER_TILE = 72
ACC_ROWS = 16 * ROWS_PER_TILE
NSEG = 1024
CW = 128


def _sc_body(data_hbm, ids_hbm, sums_hbm, cnts_hbm,
             gidx_v, rows_v, idxrow_v, dbuf_v, ones_v,
             acc_sh, cacc_sh, gsem, ssem, osem, isem):
    c = lax.axis_index("c")
    s = lax.axis_index("s")
    w = s * 2 + c

    for k in range(BPW_PAD // 16):
        jv = jnp.arange(16, dtype=jnp.int32) + 16 * k
        gidx_v[pl.ds(16 * k, 16)] = jnp.minimum(w + NW * jv, NBLKS - 1)

    pltpu.async_copy(ids_hbm.at[gidx_v], rows_v, isem)

    one16 = jnp.ones((16,), jnp.float32)
    zero16 = jnp.zeros((16,), jnp.float32)

    def _ones_row(r, carry):
        for cc in range(CW // 16):
            ones_v[r, pl.ds(16 * cc, 16)] = one16
        return carry
    lax.fori_loop(0, BLK, _ones_row, 0)

    def _zero_row(r, carry):
        for cc in range(D // 16):
            dbuf_v[0, r, pl.ds(16 * cc, 16)] = zero16
        return carry
    lax.fori_loop(0, ROWS_PER_TILE, _zero_row, 0)

    base = ROWS_PER_TILE * s
    pltpu.sync_copy(dbuf_v.at[0].at[pl.ds(0, ROWS_PER_TILE)],
                    acc_sh.at[pl.ds(base, ROWS_PER_TILE)])
    pltpu.sync_copy(dbuf_v.at[0].at[pl.ds(0, ROWS_PER_TILE)],
                    cacc_sh.at[pl.ds(base, ROWS_PER_TILE)])

    pltpu.make_async_copy(ids_hbm.at[gidx_v], rows_v, isem).wait()

    def _count(j, r):
        b = w + NW * j
        first = rows_v[j, pl.ds(0, 16)][0]
        ok = jnp.logical_and(b < NBLKS, first < NSEG)
        return r + jnp.where(ok, 1, 0).astype(jnp.int32)

    nrel = lax.fori_loop(0, BPW, _count, jnp.int32(0))

    plsc.subcore_barrier()

    def _outer(jo, carry):
        j0 = jo * NBUF
        for t in range(NBUF):
            @pl.when(j0 + t < nrel)
            def _():
                b = w + NW * (j0 + t)
                pltpu.async_copy(
                    data_hbm.at[pl.ds(b * BLK, BLK)], dbuf_v.at[t], gsem)
        for t in range(NBUF):
            @pl.when(j0 + t < nrel)
            def _():
                j = j0 + t
                b = w + NW * j
                pltpu.make_async_copy(
                    data_hbm.at[pl.ds(b * BLK, BLK)], dbuf_v.at[t], gsem
                ).wait()
                for cc in range(BLK // 16):
                    v = rows_v[j, pl.ds(16 * cc, 16)]
                    idxrow_v[t, pl.ds(16 * cc, 16)] = jnp.minimum(v, NSEG)
                pltpu.async_copy(
                    dbuf_v.at[t], acc_sh.at[idxrow_v.at[t]], ssem, add=True)
                pltpu.async_copy(
                    ones_v, cacc_sh.at[idxrow_v.at[t]], osem, add=True)
        for t in range(NBUF):
            @pl.when(j0 + t < nrel)
            def _():
                pltpu.make_async_copy(
                    dbuf_v.at[t], acc_sh.at[idxrow_v.at[t]], ssem).wait()
                pltpu.make_async_copy(
                    ones_v, cacc_sh.at[idxrow_v.at[t]], osem).wait()
        return carry

    lax.fori_loop(0, -(-BPW // NBUF), _outer, 0)

    plsc.subcore_barrier()

    out_base = c * ACC_ROWS + base
    pltpu.async_copy(acc_sh.at[pl.ds(base, ROWS_PER_TILE)],
                     sums_hbm.at[pl.ds(out_base, ROWS_PER_TILE)], gsem)
    pltpu.async_copy(cacc_sh.at[pl.ds(base, ROWS_PER_TILE)],
                     cnts_hbm.at[pl.ds(out_base, ROWS_PER_TILE)], ssem)
    pltpu.make_async_copy(acc_sh.at[pl.ds(base, ROWS_PER_TILE)],
                          sums_hbm.at[pl.ds(out_base, ROWS_PER_TILE)],
                          gsem).wait()
    pltpu.make_async_copy(cacc_sh.at[pl.ds(base, ROWS_PER_TILE)],
                          cnts_hbm.at[pl.ds(out_base, ROWS_PER_TILE)],
                          ssem).wait()


_sc_call = functools.partial(
    pl.kernel,
    out_type=(
        jax.ShapeDtypeStruct((2 * ACC_ROWS, D), jnp.float32),
        jax.ShapeDtypeStruct((2 * ACC_ROWS, CW), jnp.float32),
    ),
    mesh=plsc.VectorSubcoreMesh(core_axis_name="c", subcore_axis_name="s"),
    scratch_types=(
        pltpu.VMEM((BPW_PAD,), jnp.int32),
        pltpu.VMEM((BPW_PAD, BLK), jnp.int32),
        pltpu.VMEM((NBUF, BLK), jnp.int32),
        pltpu.VMEM((NBUF, BLK, D), jnp.float32),
        pltpu.VMEM((BLK, CW), jnp.float32),
        pltpu.VMEM_SHARED((ACC_ROWS, D), jnp.float32),
        pltpu.VMEM_SHARED((ACC_ROWS, CW), jnp.float32),
        pltpu.SemaphoreType.DMA,
        pltpu.SemaphoreType.DMA,
        pltpu.SemaphoreType.DMA,
        pltpu.SemaphoreType.DMA,
    ),
)(_sc_body)


def _finalize_body(sums_ref, cnts_ref, out_ref):
    ssum = sums_ref[0:NSEG, :] + sums_ref[ACC_ROWS:ACC_ROWS + NSEG, :]
    cnt = cnts_ref[0:NSEG, 0:1] + cnts_ref[ACC_ROWS:ACC_ROWS + NSEG, 0:1]
    out_ref[...] = ssum / jnp.maximum(cnt, 1.0)


def kernel(data, segment_ids):
    ids2d = segment_ids.astype(jnp.int32).reshape(NBLKS, BLK)
    sums, cnts = _sc_call(data, ids2d)
    return pl.pallas_call(
        _finalize_body,
        out_shape=jax.ShapeDtypeStruct((NSEG, D), jnp.float32),
    )(sums, cnts)

# --- scband reference (transcript-rebuilt; emitter-appended) ---
"""Pipeline reference for scband-rgbdvideo-tower-24060406792955 (READ-ONLY COPY).

The authoritative reference and input builder live on the scoring server;
editing this copy changes nothing except your own understanding.
"""

import jax, jax.numpy as jnp
import numpy as np

NUM_VOXELS = 10000
NUM_SAMPLE_TOKENS = 1024
N_POINTS = 320000
D_FEAT = 128

def setup_inputs(seed: int = 0) -> dict:
    key = jax.random.key(seed)
    k1, k2 = jax.random.split(key)
    data = jax.random.normal(k1, (N_POINTS, D_FEAT), dtype=jnp.float32)
    segment_ids = jnp.sort(jax.random.randint(k2, (N_POINTS,), 0, NUM_VOXELS, dtype=jnp.int64))
    return {"data": data, "segment_ids": segment_ids}

def reference(data, segment_ids):
    # Core of RGBDVideoTower.forward, 'voxelize' pooling branch:
    # pooled = scatter_mean(video_features[b], p2v[b], dim=0)
    sums = jax.ops.segment_sum(data, segment_ids, num_segments=NUM_VOXELS)
    counts = jax.ops.segment_sum(jnp.ones((data.shape[0],), jnp.float32), segment_ids, num_segments=NUM_VOXELS)
    pooled = sums / jnp.maximum(counts, 1.0)[:, None]
    # Fixed-size re-sampling to num_sample_tokens (deterministic stand-in for
    # np.random.choice over voxel features in the original code)
    idx = jnp.arange(NUM_SAMPLE_TOKENS) % NUM_VOXELS
    pooled_fixed = jnp.take(pooled, idx, axis=0)
    return pooled_fixed

if __name__ == "__main__":
    import jax
    _d = setup_inputs()
    print(jax.jit(kernel)(*tuple(_d.values())))

</pallas_src>

<mosaic_0001>
#map = affine_map<(d0, d1) -> (0, 0)>
module attributes {stable_mosaic.version = 14 : i64} {
  func.func @_sc_body(%arg0: i32, %arg1: i32, %arg2: memref<320000x128xf32, #tpu.memory_space<hbm>>, %arg3: memref<2500x128xi32, #tpu.memory_space<hbm>>, %arg4: memref<2304x128xf32, #tpu.memory_space<hbm>>, %arg5: memref<2304x128xf32, #tpu.memory_space<hbm>>, %arg6: memref<80xi32, #tpu.memory_space<vmem>>, %arg7: memref<80x128xi32, #tpu.memory_space<vmem>>, %arg8: memref<5x128xi32, #tpu.memory_space<vmem>>, %arg9: memref<5x128x128xf32, #tpu.memory_space<vmem>>, %arg10: memref<128x128xf32, #tpu.memory_space<vmem>>, %arg11: memref<1152x128xf32, #tpu.memory_space<vmem_shared>>, %arg12: memref<1152x128xf32, #tpu.memory_space<vmem_shared>>, %arg13: memref<!tpu.dma_semaphore, #tpu.memory_space<semaphore_mem>>, %arg14: memref<!tpu.dma_semaphore, #tpu.memory_space<semaphore_mem>>, %arg15: memref<!tpu.dma_semaphore, #tpu.memory_space<semaphore_mem>>, %arg16: memref<!tpu.dma_semaphore, #tpu.memory_space<semaphore_mem>>) attributes {dimension_semantics = [#tpu.dimension_semantics<core_parallel>, #tpu.dimension_semantics<subcore_parallel>], iteration_bounds = array<i64: 2, 16>, scalar_prefetch = 0 : i64, scratch_operands = 11 : i64, tpu.core_type = #tpu.core_type<sc_vector_subcore>, window_params = [{transform_indices = #map}, {transform_indices = #map}, {transform_indices = #map}, {transform_indices = #map}]} {
    %mul3A = arith.constant 2 : i32
    %mul3A_0 = arith.muli %arg1, %mul3A : i32
    %add3A = arith.addi %mul3A_0, %arg0 : i32
    %iota3A = tpu.iota {dimensions = array<i32: 0>} : vector<16xi32>
    %add3A_1 = arith.constant 0 : i32
    %add3A_2 = vector.broadcast %add3A_1 : i32 to vector<16xi32>
    %add3A_3 = arith.addi %iota3A, %add3A_2 : vector<16xi32>
    %mul3A_4 = arith.constant 32 : i32
    %mul3A_5 = vector.broadcast %mul3A_4 : i32 to vector<16xi32>
    %mul3A_6 = arith.muli %mul3A_5, %add3A_3 : vector<16xi32>
    %add3A_7 = vector.broadcast %add3A : i32 to vector<16xi32>
    %add3A_8 = arith.addi %add3A_7, %mul3A_6 : vector<16xi32>
    %min3A = arith.constant 2499 : i32
    %min3A_9 = vector.broadcast %min3A : i32 to vector<16xi32>
    %min3A_10 = arith.minsi %add3A_8, %min3A_9 : vector<16xi32>
    %swap3A = arith.constant 0 : index
    %swap3A_11 = tpu.vector_load %arg6[%swap3A] {strides = array<i32>} : memref<80xi32, #tpu.memory_space<vmem>>, vector<16xi32>,
    %swap3A_12 = vector.shape_cast %swap3A_11 : vector<16xi32> to vector<16xi32>
    %swap3A_13 = vector.shape_cast %min3A_10 : vector<16xi32> to vector<16xi32>
    tpu.vector_store %arg6[%swap3A], %swap3A_13 {strides = array<i32>} : memref<80xi32, #tpu.memory_space<vmem>>, vector<16xi32>,
    %iota3A_14 = tpu.iota {dimensions = array<i32: 0>} : vector<16xi32>
    %add3A_15 = arith.constant 16 : i32
    %add3A_16 = vector.broadcast %add3A_15 : i32 to vector<16xi32>
    %add3A_17 = arith.addi %iota3A_14, %add3A_16 : vector<16xi32>
    %mul3A_18 = arith.constant 32 : i32
    %mul3A_19 = vector.broadcast %mul3A_18 : i32 to vector<16xi32>
    %mul3A_20 = arith.muli %mul3A_19, %add3A_17 : vector<16xi32>
    %add3A_21 = vector.broadcast %add3A : i32 to vector<16xi32>
    %add3A_22 = arith.addi %add3A_21, %mul3A_20 : vector<16xi32>
    %min3A_23 = arith.constant 2499 : i32
    %min3A_24 = vector.broadcast %min3A_23 : i32 to vector<16xi32>
    %min3A_25 = arith.minsi %add3A_22, %min3A_24 : vector<16xi32>
    %swap3A_26 = arith.constant 16 : index
    %swap3A_27 = tpu.vector_load %arg6[%swap3A_26] {strides = array<i32>} : memref<80xi32, #tpu.memory_space<vmem>>, vector<16xi32>,
    %swap3A_28 = vector.shape_cast %swap3A_27 : vector<16xi32> to vector<16xi32>
    %swap3A_29 = vector.shape_cast %min3A_25 : vector<16xi32> to vector<16xi32>
    tpu.vector_store %arg6[%swap3A_26], %swap3A_29 {strides = array<i32>} : memref<80xi32, #tpu.memory_space<vmem>>, vector<16xi32>,
    %iota3A_30 = tpu.iota {dimensions = array<i32: 0>} : vector<16xi32>
    %add3A_31 = arith.constant 32 : i32
    %add3A_32 = vector.broadcast %add3A_31 : i32 to vector<16xi32>
    %add3A_33 = arith.addi %iota3A_30, %add3A_32 : vector<16xi32>
    %mul3A_34 = arith.constant 32 : i32
    %mul3A_35 = vector.broadcast %mul3A_34 : i32 to vector<16xi32>
    %mul3A_36 = arith.muli %mul3A_35, %add3A_33 : vector<16xi32>
    %add3A_37 = vector.broadcast %add3A : i32 to vector<16xi32>
    %add3A_38 = arith.addi %add3A_37, %mul3A_36 : vector<16xi32>
    %min3A_39 = arith.constant 2499 : i32
    %min3A_40 = vector.broadcast %min3A_39 : i32 to vector<16xi32>
    %min3A_41 = arith.minsi %add3A_38, %min3A_40 : vector<16xi32>
    %swap3A_42 = arith.constant 32 : index
    %swap3A_43 = tpu.vector_load %arg6[%swap3A_42] {strides = array<i32>} : memref<80xi32, #tpu.memory_space<vmem>>, vector<16xi32>,
    %swap3A_44 = vector.shape_cast %swap3A_43 : vector<16xi32> to vector<16xi32>
    %swap3A_45 = vector.shape_cast %min3A_41 : vector<16xi32> to vector<16xi32>
    tpu.vector_store %arg6[%swap3A_42], %swap3A_45 {strides = array<i32>} : memref<80xi32, #tpu.memory_space<vmem>>, vector<16xi32>,
    %iota3A_46 = tpu.iota {dimensions = array<i32: 0>} : vector<16xi32>
    %add3A_47 = arith.constant 48 : i32
    %add3A_48 = vector.broadcast %add3A_47 : i32 to vector<16xi32>
    %add3A_49 = arith.addi %iota3A_46, %add3A_48 : vector<16xi32>
    %mul3A_50 = arith.constant 32 : i32
    %mul3A_51 = vector.broadcast %mul3A_50 : i32 to vector<16xi32>
    %mul3A_52 = arith.muli %mul3A_51, %add3A_49 : vector<16xi32>
    %add3A_53 = vector.broadcast %add3A : i32 to vector<16xi32>
    %add3A_54 = arith.addi %add3A_53, %mul3A_52 : vector<16xi32>
    %min3A_55 = arith.constant 2499 : i32
    %min3A_56 = vector.broadcast %min3A_55 : i32 to vector<16xi32>
    %min3A_57 = arith.minsi %add3A_54, %min3A_56 : vector<16xi32>
    %swap3A_58 = arith.constant 48 : index
    %swap3A_59 = tpu.vector_load %arg6[%swap3A_58] {strides = array<i32>} : memref<80xi32, #tpu.memory_space<vmem>>, vector<16xi32>,
    %swap3A_60 = vector.shape_cast %swap3A_59 : vector<16xi32> to vector<16xi32>
    %swap3A_61 = vector.shape_cast %min3A_57 : vector<16xi32> to vector<16xi32>
    tpu.vector_store %arg6[%swap3A_58], %swap3A_61 {strides = array<i32>} : memref<80xi32, #tpu.memory_space<vmem>>, vector<16xi32>,
    %iota3A_62 = tpu.iota {dimensions = array<i32: 0>} : vector<16xi32>
    %add3A_63 = arith.constant 64 : i32
    %add3A_64 = vector.broadcast %add3A_63 : i32 to vector<16xi32>
    %add3A_65 = arith.addi %iota3A_62, %add3A_64 : vector<16xi32>
    %mul3A_66 = arith.constant 32 : i32
    %mul3A_67 = vector.broadcast %mul3A_66 : i32 to vector<16xi32>
    %mul3A_68 = arith.muli %mul3A_67, %add3A_65 : vector<16xi32>
    %add3A_69 = vector.broadcast %add3A : i32 to vector<16xi32>
    %add3A_70 = arith.addi %add3A_69, %mul3A_68 : vector<16xi32>
    %min3A_71 = arith.constant 2499 : i32
    %min3A_72 = vector.broadcast %min3A_71 : i32 to vector<16xi32>
    %min3A_73 = arith.minsi %add3A_70, %min3A_72 : vector<16xi32>
    %swap3A_74 = arith.constant 64 : index
    %swap3A_75 = tpu.vector_load %arg6[%swap3A_74] {strides = array<i32>} : memref<80xi32, #tpu.memory_space<vmem>>, vector<16xi32>,
    %swap3A_76 = vector.shape_cast %swap3A_75 : vector<16xi32> to vector<16xi32>
    %swap3A_77 = vector.shape_cast %min3A_73 : vector<16xi32> to vector<16xi32>
    tpu.vector_store %arg6[%swap3A_74], %swap3A_77 {strides = array<i32>} : memref<80xi32, #tpu.memory_space<vmem>>, vector<16xi32>,
    %dma_start3A = arith.constant 0 : i32
    %dma_start3A_78 = arith.constant 0 : i32
    %dma_start3A_79 = tpu.memref_slice %arg3[%dma_start3A, %dma_start3A_78] : memref<2500x128xi32, #tpu.memory_space<hbm>> -> memref<2500x128xi32, #tpu.memory_space<hbm>>
    tpu.enqueue_indirect_dma source(%dma_start3A_79 : memref<2500x128xi32, #tpu.memory_space<hbm>>) target(%arg7 : memref<80x128xi32, #tpu.memory_space<vmem>>) offsets(%arg6 : memref<80xi32, #tpu.memory_space<vmem>>) semaphore(%arg16 : memref<!tpu.dma_semaphore, #tpu.memory_space<semaphore_mem>>)
    %broadcast_in_dim3A = arith.constant 1.000000e+00 : f32
    %broadcast_in_dim3A_80 = vector.broadcast %broadcast_in_dim3A : f32 to vector<16xf32>
    %broadcast_in_dim3A_81 = arith.constant 0.000000e+00 : f32
    %broadcast_in_dim3A_82 = vector.broadcast %broadcast_in_dim3A_81 : f32 to vector<16xf32>
    %scan3A = arith.constant 0 : i32
    %scan3A_83 = arith.constant 0 : i32
    %scan3A_84 = arith.constant 128 : i32
    %scan3A_85 = arith.addi %scan3A_83, %scan3A_84 : i32
    %scan3A_86 = arith.constant 1 : i32
    scf.for %scan3A_132 = %scan3A_83 to %scan3A_85 step %scan3A_86  : i32 {
      %swap3A_133 = arith.index_cast %scan3A_132 : i32 to index
      %swap3A_134 = arith.constant 0 : index
      %swap3A_135 = tpu.vector_load %arg10[%swap3A_133, %swap3A_134] {strides = array<i32>} : memref<128x128xf32, #tpu.memory_space<vmem>>, vector<1x16xf32>,
      %swap3A_136 = vector.shape_cast %swap3A_135 : vector<1x16xf32> to vector<16xf32>
      %swap3A_137 = vector.shape_cast %broadcast_in_dim3A_80 : vector<16xf32> to vector<1x16xf32>
      tpu.vector_store %arg10[%swap3A_133, %swap3A_134], %swap3A_137 {strides = array<i32>} : memref<128x128xf32, #tpu.memory_space<vmem>>, vector<1x16xf32>,
      %swap3A_138 = arith.index_cast %scan3A_132 : i32 to index
      %swap3A_139 = arith.constant 16 : index
      %swap3A_140 = tpu.vector_load %arg10[%swap3A_138, %swap3A_139] {strides = array<i32>} : memref<128x128xf32, #tpu.memory_space<vmem>>, vector<1x16xf32>,
      %swap3A_141 = vector.shape_cast %swap3A_140 : vector<1x16xf32> to vector<16xf32>
      %swap3A_142 = vector.shape_cast %broadcast_in_dim3A_80 : vector<16xf32> to vector<1x16xf32>
      tpu.vector_store %arg10[%swap3A_138, %swap3A_139], %swap3A_142 {strides = array<i32>} : memref<128x128xf32, #tpu.memory_space<vmem>>, vector<1x16xf32>,
      %swap3A_143 = arith.index_cast %scan3A_132 : i32 to index
      %swap3A_144 = arith.constant 32 : index
      %swap3A_145 = tpu.vector_load %arg10[%swap3A_143, %swap3A_144] {strides = array<i32>} : memref<128x128xf32, #tpu.memory_space<vmem>>, vector<1x16xf32>,
      %swap3A_146 = vector.shape_cast %swap3A_145 : vector<1x16xf32> to vector<16xf32>
      %swap3A_147 = vector.shape_cast %broadcast_in_dim3A_80 : vector<16xf32> to vector<1x16xf32>
      tpu.vector_store %arg10[%swap3A_143, %swap3A_144], %swap3A_147 {strides = array<i32>} : memref<128x128xf32, #tpu.memory_space<vmem>>, vector<1x16xf32>,
      %swap3A_148 = arith.index_cast %scan3A_132 : i32 to index
      %swap3A_149 = arith.constant 48 : index
      %swap3A_150 = tpu.vector_load %arg10[%swap3A_148, %swap3A_149] {strides = array<i32>} : memref<128x128xf32, #tpu.memory_space<vmem>>, vector<1x16xf32>,
      %swap3A_151 = vector.shape_cast %swap3A_150 : vector<1x16xf32> to vector<16xf32>
      %swap3A_152 = vector.shape_cast %broadcast_in_dim3A_80 : vector<16xf32> to vector<1x16xf32>
      tpu.vector_store %arg10[%swap3A_148, %swap3A_149], %swap3A_152 {strides = array<i32>} : memref<128x128xf32, #tpu.memory_space<vmem>>, vector<1x16xf32>,
      %swap3A_153 = arith.index_cast %scan3A_132 : i32 to index
      %swap3A_154 = arith.constant 64 : index
      %swap3A_155 = tpu.vector_load %arg10[%swap3A_153, %swap3A_154] {strides = array<i32>} : memref<128x128xf32, #tpu.memory_space<vmem>>, vector<1x16xf32>,
      %swap3A_156 = vector.shape_cast %swap3A_155 : vector<1x16xf32> to vector<16xf32>
      %swap3A_157 = vector.shape_cast %broadcast_in_dim3A_80 : vector<16xf32> to vector<1x16xf32>
      tpu.vector_store %arg10[%swap3A_153, %swap3A_154], %swap3A_157 {strides = array<i32>} : memref<128x128xf32, #tpu.memory_space<vmem>>, vector<1x16xf32>,
      %swap3A_158 = arith.index_cast %scan3A_132 : i32 to index
      %swap3A_159 = arith.constant 80 : index
      %swap3A_160 = tpu.vector_load %arg10[%swap3A_158, %swap3A_159] {strides = array<i32>} : memref<128x128xf32, #tpu.memory_space<vmem>>, vector<1x16xf32>,
      %swap3A_161 = vector.shape_cast %swap3A_160 : vector<1x16xf32> to vector<16xf32>
      %swap3A_162 = vector.shape_cast %broadcast_in_dim3A_80 : vector<16xf32> to vector<1x16xf32>
      tpu.vector_store %arg10[%swap3A_158, %swap3A_159], %swap3A_162 {strides = array<i32>} : memref<128x128xf32, #tpu.memory_space<vmem>>, vector<1x16xf32>,
      %swap3A_163 = arith.index_cast %scan3A_132 : i32 to index
      %swap3A_164 = arith.constant 96 : index
      %swap3A_165 = tpu.vector_load %arg10[%swap3A_163, %swap3A_164] {strides = array<i32>} : memref<128x128xf32, #tpu.memory_space<vmem>>, vector<1x16xf32>,
      %swap3A_166 = vector.shape_cast %swap3A_165 : vector<1x16xf32> to vector<16xf32>
      %swap3A_167 = vector.shape_cast %broadcast_in_dim3A_80 : vector<16xf32> to vector<1x16xf32>
      tpu.vector_store %arg10[%swap3A_163, %swap3A_164], %swap3A_167 {strides = array<i32>} : memref<128x128xf32, #tpu.memory_space<vmem>>, vector<1x16xf32>,
      %swap3A_168 = arith.index_cast %scan3A_132 : i32 to index
      %swap3A_169 = arith.constant 112 : index
      %swap3A_170 = tpu.vector_load %arg10[%swap3A_168, %swap3A_169] {strides = array<i32>} : memref<128x128xf32, #tpu.memory_space<vmem>>, vector<1x16xf32>,
      %swap3A_171 = vector.shape_cast %swap3A_170 : vector<1x16xf32> to vector<16xf32>
      %swap3A_172 = vector.shape_cast %broadcast_in_dim3A_80 : vector<16xf32> to vector<1x16xf32>
      tpu.vector_store %arg10[%swap3A_168, %swap3A_169], %swap3A_172 {strides = array<i32>} : memref<128x128xf32, #tpu.memory_space<vmem>>, vector<1x16xf32>,
    }
    %scan3A_87 = arith.constant 128 : i32
    %scan3A_88 = arith.constant 0 : i32
    %scan3A_89 = arith.constant 0 : i32
    %scan3A_90 = arith.constant 72 : i32
    %scan3A_91 = arith.addi %scan3A_89, %scan3A_90 : i32
    %scan3A_92 = arith.constant 1 : i32
    scf.for %scan3A_132 = %scan3A_89 to %scan3A_91 step %scan3A_92  : i32 {
      %swap3A_133 = arith.constant 0 : i32
      %swap3A_134 = arith.index_cast %swap3A_133 : i32 to index
      %swap3A_135 = arith.index_cast %scan3A_132 : i32 to index
      %swap3A_136 = arith.constant 0 : index
      %swap3A_137 = tpu.vector_load %arg9[%swap3A_134, %swap3A_135, %swap3A_136] {strides = array<i32>} : memref<5x128x128xf32, #tpu.memory_space<vmem>>, vector<1x1x16xf32>,
      %swap3A_138 = vector.shape_cast %swap3A_137 : vector<1x1x16xf32> to vector<16xf32>
      %swap3A_139 = vector.shape_cast %broadcast_in_dim3A_82 : vector<16xf32> to vector<1x1x16xf32>
      tpu.vector_store %arg9[%swap3A_134, %swap3A_135, %swap3A_136], %swap3A_139 {strides = array<i32>} : memref<5x128x128xf32, #tpu.memory_space<vmem>>, vector<1x1x16xf32>,
      %swap3A_140 = arith.constant 0 : i32
      %swap3A_141 = arith.index_cast %swap3A_140 : i32 to index
      %swap3A_142 = arith.index_cast %scan3A_132 : i32 to index
      %swap3A_143 = arith.constant 16 : index
      %swap3A_144 = tpu.vector_load %arg9[%swap3A_141, %swap3A_142, %swap3A_143] {strides = array<i32>} : memref<5x128x128xf32, #tpu.memory_space<vmem>>, vector<1x1x16xf32>,
      %swap3A_145 = vector.shape_cast %swap3A_144 : vector<1x1x16xf32> to vector<16xf32>
      %swap3A_146 = vector.shape_cast %broadcast_in_dim3A_82 : vector<16xf32> to vector<1x1x16xf32>
      tpu.vector_store %arg9[%swap3A_141, %swap3A_142, %swap3A_143], %swap3A_146 {strides = array<i32>} : memref<5x128x128xf32, #tpu.memory_space<vmem>>, vector<1x1x16xf32>,
      %swap3A_147 = arith.constant 0 : i32
      %swap3A_148 = arith.index_cast %swap3A_147 : i32 to index
      %swap3A_149 = arith.index_cast %scan3A_132 : i32 to index
      %swap3A_150 = arith.constant 32 : index
      %swap3A_151 = tpu.vector_load %arg9[%swap3A_148, %swap3A_149, %swap3A_150] {strides = array<i32>} : memref<5x128x128xf32, #tpu.memory_space<vmem>>, vector<1x1x16xf32>,
      %swap3A_152 = vector.shape_cast %swap3A_151 : vector<1x1x16xf32> to vector<16xf32>
      %swap3A_153 = vector.shape_cast %broadcast_in_dim3A_82 : vector<16xf32> to vector<1x1x16xf32>
      tpu.vector_store %arg9[%swap3A_148, %swap3A_149, %swap3A_150], %swap3A_153 {strides = array<i32>} : memref<5x128x128xf32, #tpu.memory_space<vmem>>, vector<1x1x16xf32>,
      %swap3A_154 = arith.constant 0 : i32
      %swap3A_155 = arith.index_cast %swap3A_154 : i32 to index
      %swap3A_156 = arith.index_cast %scan3A_132 : i32 to index
      %swap3A_157 = arith.constant 48 : index
      %swap3A_158 = tpu.vector_load %arg9[%swap3A_155, %swap3A_156, %swap3A_157] {strides = array<i32>} : memref<5x128x128xf32, #tpu.memory_space<vmem>>, vector<1x1x16xf32>,
      %swap3A_159 = vector.shape_cast %swap3A_158 : vector<1x1x16xf32> to vector<16xf32>
      %swap3A_160 = vector.shape_cast %broadcast_in_dim3A_82 : vector<16xf32> to vector<1x1x16xf32>
      tpu.vector_store %arg9[%swap3A_155, %swap3A_156, %swap3A_157], %swap3A_160 {strides = array<i32>} : memref<5x128x128xf32, #tpu.memory_space<vmem>>, vector<1x1x16xf32>,
      %swap3A_161 = arith.constant 0 : i32
      %swap3A_162 = arith.index_cast %swap3A_161 : i32 to index
      %swap3A_163 = arith.index_cast %scan3A_132 : i32 to index
      %swap3A_164 = arith.constant 64 : index
      %swap3A_165 = tpu.vector_load %arg9[%swap3A_162, %swap3A_163, %swap3A_164] {strides = array<i32>} : memref<5x128x128xf32, #tpu.memory_space<vmem>>, vector<1x1x16xf32>,
      %swap3A_166 = vector.shape_cast %swap3A_165 : vector<1x1x16xf32> to vector<16xf32>
      %swap3A_167 = vector.shape_cast %broadcast_in_dim3A_82 : vector<16xf32> to vector<1x1x16xf32>
      tpu.vector_store %arg9[%swap3A_162, %swap3A_163, %swap3A_164], %swap3A_167 {strides = array<i32>} : memref<5x128x128xf32, #tpu.memory_space<vmem>>, vector<1x1x16xf32>,
      %swap3A_168 = arith.constant 0 : i32
      %swap3A_169 = arith.index_cast %swap3A_168 : i32 to index
      %swap3A_170 = arith.index_cast %scan3A_132 : i32 to index
      %swap3A_171 = arith.constant 80 : index
      %swap3A_172 = tpu.vector_load %arg9[%swap3A_169, %swap3A_170, %swap3A_171] {strides = array<i32>} : memref<5x128x128xf32, #tpu.memory_space<vmem>>, vector<1x1x16xf32>,
      %swap3A_173 = vector.shape_cast %swap3A_172 : vector<1x1x16xf32> to vector<16xf32>
      %swap3A_174 = vector.shape_cast %broadcast_in_dim3A_82 : vector<16xf32> to vector<1x1x16xf32>
      tpu.vector_store %arg9[%swap3A_169, %swap3A_170, %swap3A_171], %swap3A_174 {strides = array<i32>} : memref<5x128x128xf32, #tpu.memory_space<vmem>>, vector<1x1x16xf32>,
      %swap3A_175 = arith.constant 0 : i32
      %swap3A_176 = arith.index_cast %swap3A_175 : i32 to index
      %swap3A_177 = arith.index_cast %scan3A_132 : i32 to index
      %swap3A_178 = arith.constant 96 : index
      %swap3A_179 = tpu.vector_load %arg9[%swap3A_176, %swap3A_177, %swap3A_178] {strides = array<i32>} : memref<5x128x128xf32, #tpu.memory_space<vmem>>, vector<1x1x16xf32>,
      %swap3A_180 = vector.shape_cast %swap3A_179 : vector<1x1x16xf32> to vector<16xf32>
      %swap3A_181 = vector.shape_cast %broadcast_in_dim3A_82 : vector<16xf32> to vector<1x1x16xf32>
      tpu.vector_store %arg9[%swap3A_176, %swap3A_177, %swap3A_178], %swap3A_181 {strides = array<i32>} : memref<5x128x128xf32, #tpu.memory_space<vmem>>, vector<1x1x16xf32>,
      %swap3A_182 = arith.constant 0 : i32
      %swap3A_183 = arith.index_cast %swap3A_182 : i32 to index
      %swap3A_184 = arith.index_cast %scan3A_132 : i32 to index
      %swap3A_185 = arith.constant 112 : index
      %swap3A_186 = tpu.vector_load %arg9[%swap3A_183, %swap3A_184, %swap3A_185] {strides = array<i32>} : memref<5x128x128xf32, #tpu.memory_space<vmem>>, vector<1x1x16xf32>,
      %swap3A_187 = vector.shape_cast %swap3A_186 : vector<1x1x16xf32> to vector<16xf32>
      %swap3A_188 = vector.shape_cast %broadcast_in_dim3A_82 : vector<16xf32> to vector<1x1x16xf32>
      tpu.vector_store %arg9[%swap3A_183, %swap3A_184, %swap3A_185], %swap3A_188 {strides = array<i32>} : memref<5x128x128xf32, #tpu.memory_space<vmem>>, vector<1x1x16xf32>,
    }
    %scan3A_93 = arith.constant 72 : i32
    %mul3A_94 = arith.constant 72 : i32
    %mul3A_95 = arith.muli %mul3A_94, %arg1 : i32
    %run_scoped3A = arith.constant 0 : i32
    "tpu.region"() ({
      %run_scoped3A_132 = tpu.sem_alloc : memref<!tpu.dma_semaphore, #tpu.memory_space<semaphore_mem>>
      %dma_start3A_133 = arith.constant 0 : i32
      %dma_start3A_134 = arith.constant 0 : i32
      %dma_start3A_135 = tpu.memref_slice %arg9[%run_scoped3A, %dma_start3A_133, %dma_start3A_134] : memref<5x128x128xf32, #tpu.memory_space<vmem>> -> memref<1x128x128xf32, #tpu.memory_space<vmem>>
      %dma_start3A_136 = tpu.memref_squeeze %dma_start3A_135 : memref<1x128x128xf32, #tpu.memory_space<vmem>> -> memref<128x128xf32, #tpu.memory_space<vmem>>
      %dma_start3A_137 = arith.constant 0 : i32
      %dma_start3A_138 = arith.constant 0 : i32
      %dma_start3A_139 = tpu.memref_slice %dma_start3A_136[%dma_start3A_137, %dma_start3A_138] : memref<128x128xf32, #tpu.memory_space<vmem>> -> memref<72x128xf32, #tpu.memory_space<vmem>>
      %dma_start3A_140 = arith.constant 0 : i32
      %dma_start3A_141 = tpu.memref_slice %arg11[%mul3A_95, %dma_start3A_140] : memref<1152x128xf32, #tpu.memory_space<vmem_shared>> -> memref<72x128xf32, #tpu.memory_space<vmem_shared>>
      %dma_start3A_142 = arith.constant 0 : i32
      %dma_start3A_143 = tpu.memref_slice %arg11[%mul3A_95, %dma_start3A_142] : memref<1152x128xf32, #tpu.memory_space<vmem_shared>> -> memref<72x128xf32, #tpu.memory_space<vmem_shared>>
      %dma_start3A_144 = arith.constant 0 : i32
      %dma_start3A_145 = arith.constant 0 : i32
      %dma_start3A_146 = tpu.memref_slice %arg9[%run_scoped3A, %dma_start3A_144, %dma_start3A_145] : memref<5x128x128xf32, #tpu.memory_space<vmem>> -> memref<1x128x128xf32, #tpu.memory_space<vmem>>
      %dma_start3A_147 = tpu.memref_squeeze %dma_start3A_146 : memref<1x128x128xf32, #tpu.memory_space<vmem>> -> memref<128x128xf32, #tpu.memory_space<vmem>>
      %dma_start3A_148 = arith.constant 0 : i32
      %dma_start3A_149 = arith.constant 0 : i32
      %dma_start3A_150 = tpu.memref_slice %dma_start3A_147[%dma_start3A_148, %dma_start3A_149] : memref<128x128xf32, #tpu.memory_space<vmem>> -> memref<72x128xf32, #tpu.memory_space<vmem>>
      tpu.enqueue_dma source(%dma_start3A_150 : memref<72x128xf32, #tpu.memory_space<vmem>>) target(%dma_start3A_143 : memref<72x128xf32, #tpu.memory_space<vmem_shared>>) target_semaphore(%run_scoped3A_132 : memref<!tpu.dma_semaphore, #tpu.memory_space<semaphore_mem>>)
      %dma_wait3A_151 = arith.constant 0 : i32
      %dma_wait3A_152 = arith.constant 0 : i32
      %dma_wait3A_153 = tpu.memref_slice %arg9[%run_scoped3A, %dma_wait3A_151, %dma_wait3A_152] : memref<5x128x128xf32, #tpu.memory_space<vmem>> -> memref<1x128x128xf32, #tpu.memory_space<vmem>>
      %dma_wait3A_154 = tpu.memref_squeeze %dma_wait3A_153 : memref<1x128x128xf32, #tpu.memory_space<vmem>> -> memref<128x128xf32, #tpu.memory_space<vmem>>
      %dma_wait3A_155 = arith.constant 0 : i32
      %dma_wait3A_156 = arith.constant 0 : i32
      %dma_wait3A_157 = tpu.memref_slice %dma_wait3A_154[%dma_wait3A_155, %dma_wait3A_156] : memref<128x128xf32, #tpu.memory_space<vmem>> -> memref<72x128xf32, #tpu.memory_space<vmem>>
      %dma_wait3A_158 = arith.constant 0 : i32
      %dma_wait3A_159 = tpu.memref_slice %arg11[%mul3A_95, %dma_wait3A_158] : memref<1152x128xf32, #tpu.memory_space<vmem_shared>> -> memref<72x128xf32, #tpu.memory_space<vmem_shared>>
      %dma_wait3A_160 = arith.constant 0 : i32
      %dma_wait3A_161 = tpu.memref_slice %arg11[%mul3A_95, %dma_wait3A_160] : memref<1152x128xf32, #tpu.memory_space<vmem_shared>> -> memref<72x128xf32, #tpu.memory_space<vmem_shared>>
      %dma_wait3A_162 = arith.constant 0 : i32
      %dma_wait3A_163 = arith.constant 0 : i32
      %dma_wait3A_164 = tpu.memref_slice %arg9[%run_scoped3A, %dma_wait3A_162, %dma_wait3A_163] : memref<5x128x128xf32, #tpu.memory_space<vmem>> -> memref<1x128x128xf32, #tpu.memory_space<vmem>>
      %dma_wait3A_165 = tpu.memref_squeeze %dma_wait3A_164 : memref<1x128x128xf32, #tpu.memory_space<vmem>> -> memref<128x128xf32, #tpu.memory_space<vmem>>
      %dma_wait3A_166 = arith.constant 0 : i32
      %dma_wait3A_167 = arith.constant 0 : i32
      %dma_wait3A_168 = tpu.memref_slice %dma_wait3A_165[%dma_wait3A_166, %dma_wait3A_167] : memref<128x128xf32, #tpu.memory_space<vmem>> -> memref<72x128xf32, #tpu.memory_space<vmem>>
      tpu.wait_dma2 semaphore(%run_scoped3A_132 : memref<!tpu.dma_semaphore, #tpu.memory_space<semaphore_mem>>) src(%dma_wait3A_168 : memref<72x128xf32, #tpu.memory_space<vmem>>) dst(%dma_wait3A_161 : memref<72x128xf32, #tpu.memory_space<vmem_shared>>)
      tpu.yield
    }) : () -> ()
    %run_scoped3A_96 = arith.constant 0 : i32
    "tpu.region"() ({
      %run_scoped3A_132 = tpu.sem_alloc : memref<!tpu.dma_semaphore, #tpu.memory_space<semaphore_mem>>
      %dma_start3A_133 = arith.constant 0 : i32
      %dma_start3A_134 = arith.constant 0 : i32
      %dma_start3A_135 = tpu.memref_slice %arg9[%run_scoped3A_96, %dma_start3A_133, %dma_start3A_134] : memref<5x128x128xf32, #tpu.memory_space<vmem>> -> memref<1x128x128xf32, #tpu.memory_space<vmem>>
      %dma_start3A_136 = tpu.memref_squeeze %dma_start3A_135 : memref<1x128x128xf32, #tpu.memory_space<vmem>> -> memref<128x128xf32, #tpu.memory_space<vmem>>
      %dma_start3A_137 = arith.constant 0 : i32
      %dma_start3A_138 = arith.constant 0 : i32
      %dma_start3A_139 = tpu.memref_slice %dma_start3A_136[%dma_start3A_137, %dma_start3A_138] : memref<128x128xf32, #tpu.memory_space<vmem>> -> memref<72x128xf32, #tpu.memory_space<vmem>>
      %dma_start3A_140 = arith.constant 0 : i32
      %dma_start3A_141 = tpu.memref_slice %arg12[%mul3A_95, %dma_start3A_140] : memref<1152x128xf32, #tpu.memory_space<vmem_shared>> -> memref<72x128xf32, #tpu.memory_space<vmem_shared>>
      %dma_start3A_142 = arith.constant 0 : i32
      %dma_start3A_143 = tpu.memref_slice %arg12[%mul3A_95, %dma_start3A_142] : memref<1152x128xf32, #tpu.memory_space<vmem_shared>> -> memref<72x128xf32, #tpu.memory_space<vmem_shared>>
      %dma_start3A_144 = arith.constant 0 : i32
      %dma_start3A_145 = arith.constant 0 : i32
      %dma_start3A_146 = tpu.memref_slice %arg9[%run_scoped3A_96, %dma_start3A_144, %dma_start3A_145] : memref<5x128x128xf32, #tpu.memory_space<vmem>> -> memref<1x128x128xf32, #tpu.memory_space<vmem>>
      %dma_start3A_147 = tpu.memref_squeeze %dma_start3A_146 : memref<1x128x128xf32, #tpu.memory_space<vmem>> -> memref<128x128xf32, #tpu.memory_space<vmem>>
      %dma_start3A_148 = arith.constant 0 : i32
      %dma_start3A_149 = arith.constant 0 : i32
      %dma_start3A_150 = tpu.memref_slice %dma_start3A_147[%dma_start3A_148, %dma_start3A_149] : memref<128x128xf32, #tpu.memory_space<vmem>> -> memref<72x128xf32, #tpu.memory_space<vmem>>
      tpu.enqueue_dma source(%dma_start3A_150 : memref<72x128xf32, #tpu.memory_space<vmem>>) target(%dma_start3A_143 : memref<72x128xf32, #tpu.memory_space<vmem_shared>>) target_semaphore(%run_scoped3A_132 : memref<!tpu.dma_semaphore, #tpu.memory_space<semaphore_mem>>)
      %dma_wait3A_151 = arith.constant 0 : i32
      %dma_wait3A_152 = arith.constant 0 : i32
      %dma_wait3A_153 = tpu.memref_slice %arg9[%run_scoped3A_96, %dma_wait3A_151, %dma_wait3A_152] : memref<5x128x128xf32, #tpu.memory_space<vmem>> -> memref<1x128x128xf32, #tpu.memory_space<vmem>>
      %dma_wait3A_154 = tpu.memref_squeeze %dma_wait3A_153 : memref<1x128x128xf32, #tpu.memory_space<vmem>> -> memref<128x128xf32, #tpu.memory_space<vmem>>
      %dma_wait3A_155 = arith.constant 0 : i32
      %dma_wait3A_156 = arith.constant 0 : i32
      %dma_wait3A_157 = tpu.memref_slice %dma_wait3A_154[%dma_wait3A_155, %dma_wait3A_156] : memref<128x128xf32, #tpu.memory_space<vmem>> -> memref<72x128xf32, #tpu.memory_space<vmem>>
      %dma_wait3A_158 = arith.constant 0 : i32
      %dma_wait3A_159 = tpu.memref_slice %arg12[%mul3A_95, %dma_wait3A_158] : memref<1152x128xf32, #tpu.memory_space<vmem_shared>> -> memref<72x128xf32, #tpu.memory_space<vmem_shared>>
      %dma_wait3A_160 = arith.constant 0 : i32
      %dma_wait3A_161 = tpu.memref_slice %arg12[%mul3A_95, %dma_wait3A_160] : memref<1152x128xf32, #tpu.memory_space<vmem_shared>> -> memref<72x128xf32, #tpu.memory_space<vmem_shared>>
      %dma_wait3A_162 = arith.constant 0 : i32
      %dma_wait3A_163 = arith.constant 0 : i32
      %dma_wait3A_164 = tpu.memref_slice %arg9[%run_scoped3A_96, %dma_wait3A_162, %dma_wait3A_163] : memref<5x128x128xf32, #tpu.memory_space<vmem>> -> memref<1x128x128xf32, #tpu.memory_space<vmem>>
      %dma_wait3A_165 = tpu.memref_squeeze %dma_wait3A_164 : memref<1x128x128xf32, #tpu.memory_space<vmem>> -> memref<128x128xf32, #tpu.memory_space<vmem>>
      %dma_wait3A_166 = arith.constant 0 : i32
      %dma_wait3A_167 = arith.constant 0 : i32
      %dma_wait3A_168 = tpu.memref_slice %dma_wait3A_165[%dma_wait3A_166, %dma_wait3A_167] : memref<128x128xf32, #tpu.memory_space<vmem>> -> memref<72x128xf32, #tpu.memory_space<vmem>>
      tpu.wait_dma2 semaphore(%run_scoped3A_132 : memref<!tpu.dma_semaphore, #tpu.memory_space<semaphore_mem>>) src(%dma_wait3A_168 : memref<72x128xf32, #tpu.memory_space<vmem>>) dst(%dma_wait3A_161 : memref<72x128xf32, #tpu.memory_space<vmem_shared>>)
      tpu.yield
    }) : () -> ()
    %dma_wait3A = arith.constant 0 : i32
    %dma_wait3A_97 = arith.constant 0 : i32
    %dma_wait3A_98 = tpu.memref_slice %arg3[%dma_wait3A, %dma_wait3A_97] : memref<2500x128xi32, #tpu.memory_space<hbm>> -> memref<2500x128xi32, #tpu.memory_space<hbm>>
    tpu.wait_indirect_dma semaphore(%arg16 : memref<!tpu.dma_semaphore, #tpu.memory_space<semaphore_mem>>) src(%dma_wait3A_98 : memref<2500x128xi32, #tpu.memory_space<hbm>>) dst(%arg7 : memref<80x128xi32, #tpu.memory_space<vmem>>)
    %scan3A_99 = arith.constant 0 : i32
    %scan3A_100 = arith.constant 0 : i32
    %scan3A_101 = arith.constant 79 : i32
    %scan3A_102 = arith.addi %scan3A_100, %scan3A_101 : i32
    %scan3A_103 = arith.constant 1 : i32
    %scan3A_104 = scf.for %scan3A_132 = %scan3A_100 to %scan3A_102 step %scan3A_103 iter_args(%scan3A_133 = %scan3A_99) -> (i32)  : i32 {
      %mul3A_134 = arith.constant 32 : i32
      %mul3A_135 = arith.muli %mul3A_134, %scan3A_132 : i32
      %add3A_136 = arith.addi %add3A, %mul3A_135 : i32
      %get3A = arith.index_cast %scan3A_132 : i32 to index
      %get3A_137 = arith.constant 0 : index
      %get3A_138 = tpu.vector_load %arg7[%get3A, %get3A_137] {strides = array<i32>} : memref<80x128xi32, #tpu.memory_space<vmem>>, vector<1x16xi32>,
      %get3A_139 = vector.shape_cast %get3A_138 : vector<1x16xi32> to vector<16xi32>
      %slice3A = vector.extract_strided_slice %get3A_139 {offsets = [0], sizes = [1], strides = [1]} : vector<16xi32> to vector<1xi32>
      %squeeze3A = vector.extract %slice3A[0] : i32 from vector<1xi32>
      %lt3A = arith.constant 2500 : i32
      %lt3A_140 = arith.cmpi slt, %add3A_136, %lt3A : i32
      %lt3A_141 = arith.constant 1024 : i32
      %lt3A_142 = arith.cmpi slt, %squeeze3A, %lt3A_141 : i32
      %and3A = arith.andi %lt3A_140, %lt3A_142 : i1
      %jit3A = arith.constant 1 : i32
      %jit3A_143 = arith.constant 0 : i32
      %select_n3A = arith.select %and3A, %jit3A, %jit3A_143 : i32
      %add3A_144 = arith.addi %scan3A_133, %select_n3A : i32
      scf.yield %add3A_144 : i32
    }
    %scan3A_105 = arith.constant 79 : i32
    %barrier3A = arith.constant 0 : index
    tpu.barrier barrier_id(%barrier3A)
    %scan3A_106 = arith.constant 0 : i32
    %scan3A_107 = arith.constant 0 : i32
    %scan3A_108 = arith.constant 16 : i32
    %scan3A_109 = arith.addi %scan3A_107, %scan3A_108 : i32
    %scan3A_110 = arith.constant 1 : i32
    scf.for %scan3A_132 = %scan3A_107 to %scan3A_109 step %scan3A_110  : i32 {
      %mul3A_133 = arith.constant 5 : i32
      %mul3A_134 = arith.muli %scan3A_132, %mul3A_133 : i32
      %add3A_135 = arith.constant 0 : i32
      %add3A_136 = arith.addi %mul3A_134, %add3A_135 : i32
      %lt3A = arith.cmpi slt, %add3A_136, %scan3A_104 : i32
      %convert_element_type3A = arith.extui %lt3A : i1 to i32
      %cond3A = arith.constant 0 : i32
      %cond3A_137 = arith.cmpi ne, %convert_element_type3A, %cond3A : i32
      scf.if %cond3A_137 {
        %add3A_222 = arith.constant 0 : i32
        %add3A_223 = arith.addi %mul3A_134, %add3A_222 : i32
        %mul3A_224 = arith.constant 32 : i32
        %mul3A_225 = arith.muli %mul3A_224, %add3A_223 : i32
        %add3A_226 = arith.addi %add3A, %mul3A_225 : i32
        %mul3A_227 = arith.constant 128 : i32
        %mul3A_228 = arith.muli %add3A_226, %mul3A_227 : i32
        %dma_start3A_229 = arith.constant 0 : i32
        %dma_start3A_230 = arith.constant 0 : i32
        %dma_start3A_231 = arith.constant 0 : i32
        %dma_start3A_232 = tpu.memref_slice %arg9[%dma_start3A_229, %dma_start3A_230, %dma_start3A_231] : memref<5x128x128xf32, #tpu.memory_space<vmem>> -> memref<1x128x128xf32, #tpu.memory_space<vmem>>
        %dma_start3A_233 = tpu.memref_squeeze %dma_start3A_232 : memref<1x128x128xf32, #tpu.memory_space<vmem>> -> memref<128x128xf32, #tpu.memory_space<vmem>>
        %dma_start3A_234 = arith.constant 0 : i32
        %dma_start3A_235 = tpu.memref_slice %arg2[%mul3A_228, %dma_start3A_234] : memref<320000x128xf32, #tpu.memory_space<hbm>> -> memref<128x128xf32, #tpu.memory_space<hbm>>
        %dma_start3A_236 = arith.constant 0 : i32
        %dma_start3A_237 = arith.constant 0 : i32
        %dma_start3A_238 = tpu.memref_slice %arg9[%dma_start3A_229, %dma_start3A_236, %dma_start3A_237] : memref<5x128x128xf32, #tpu.memory_space<vmem>> -> memref<1x128x128xf32, #tpu.memory_space<vmem>>
        %dma_start3A_239 = tpu.memref_squeeze %dma_start3A_238 : memref<1x128x128xf32, #tpu.memory_space<vmem>> -> memref<128x128xf32, #tpu.memory_space<vmem>>
        %dma_start3A_240 = arith.constant 0 : i32
        %dma_start3A_241 = tpu.memref_slice %arg2[%mul3A_228, %dma_start3A_240] : memref<320000x128xf32, #tpu.memory_space<hbm>> -> memref<128x128xf32, #tpu.memory_space<hbm>>
        tpu.enqueue_dma source(%dma_start3A_241 : memref<128x128xf32, #tpu.memory_space<hbm>>) target(%dma_start3A_239 : memref<128x128xf32, #tpu.memory_space<vmem>>) target_semaphore(%arg13 : memref<!tpu.dma_semaphore, #tpu.memory_space<semaphore_mem>>)
      } else {
      }
      %add3A_138 = arith.constant 1 : i32
      %add3A_139 = arith.addi %mul3A_134, %add3A_138 : i32
      %lt3A_140 = arith.cmpi slt, %add3A_139, %scan3A_104 : i32
      %convert_element_type3A_141 = arith.extui %lt3A_140 : i1 to i32
      %cond3A_142 = arith.constant 0 : i32
      %cond3A_143 = arith.cmpi ne, %convert_element_type3A_141, %cond3A_142 : i32
      scf.if %cond3A_143 {
        %add3A_222 = arith.constant 1 : i32
        %add3A_223 = arith.addi %mul3A_134, %add3A_222 : i32
        %mul3A_224 = arith.constant 32 : i32
        %mul3A_225 = arith.muli %mul3A_224, %add3A_223 : i32
        %add3A_226 = arith.addi %add3A, %mul3A_225 : i32
        %mul3A_227 = arith.constant 128 : i32
        %mul3A_228 = arith.muli %add3A_226, %mul3A_227 : i32
        %dma_start3A_229 = arith.constant 1 : i32
        %dma_start3A_230 = arith.constant 0 : i32
        %dma_start3A_231 = arith.constant 0 : i32
        %dma_start3A_232 = tpu.memref_slice %arg9[%dma_start3A_229, %dma_start3A_230, %dma_start3A_231] : memref<5x128x128xf32, #tpu.memory_space<vmem>> -> memref<1x128x128xf32, #tpu.memory_space<vmem>>
        %dma_start3A_233 = tpu.memref_squeeze %dma_start3A_232 : memref<1x128x128xf32, #tpu.memory_space<vmem>> -> memref<128x128xf32, #tpu.memory_space<vmem>>
        %dma_start3A_234 = arith.constant 0 : i32
        %dma_start3A_235 = tpu.memref_slice %arg2[%mul3A_228, %dma_start3A_234] : memref<320000x128xf32, #tpu.memory_space<hbm>> -> memref<128x128xf32, #tpu.memory_space<hbm>>
        %dma_start3A_236 = arith.constant 0 : i32
        %dma_start3A_237 = arith.constant 0 : i32
        %dma_start3A_238 = tpu.memref_slice %arg9[%dma_start3A_229, %dma_start3A_236, %dma_start3A_237] : memref<5x128x128xf32, #tpu.memory_space<vmem>> -> memref<1x128x128xf32, #tpu.memory_space<vmem>>
        %dma_start3A_239 = tpu.memref_squeeze %dma_start3A_238 : memref<1x128x128xf32, #tpu.memory_space<vmem>> -> memref<128x128xf32, #tpu.memory_space<vmem>>
        %dma_start3A_240 = arith.constant 0 : i32
        %dma_start3A_241 = tpu.memref_slice %arg2[%mul3A_228, %dma_start3A_240] : memref<320000x128xf32, #tpu.memory_space<hbm>> -> memref<128x128xf32, #tpu.memory_space<hbm>>
        tpu.enqueue_dma source(%dma_start3A_241 : memref<128x128xf32, #tpu.memory_space<hbm>>) target(%dma_start3A_239 : memref<128x128xf32, #tpu.memory_space<vmem>>) target_semaphore(%arg13 : memref<!tpu.dma_semaphore, #tpu.memory_space<semaphore_mem>>)
      } else {
      }
      %add3A_144 = arith.constant 2 : i32
      %add3A_145 = arith.addi %mul3A_134, %add3A_144 : i32
      %lt3A_146 = arith.cmpi slt, %add3A_145, %scan3A_104 : i32
      %convert_element_type3A_147 = arith.extui %lt3A_146 : i1 to i32
      %cond3A_148 = arith.constant 0 : i32
      %cond3A_149 = arith.cmpi ne, %convert_element_type3A_147, %cond3A_148 : i32
      scf.if %cond3A_149 {
        %add3A_222 = arith.constant 2 : i32
        %add3A_223 = arith.addi %mul3A_134, %add3A_222 : i32
        %mul3A_224 = arith.constant 32 : i32
        %mul3A_225 = arith.muli %mul3A_224, %add3A_223 : i32
        %add3A_226 = arith.addi %add3A, %mul3A_225 : i32
        %mul3A_227 = arith.constant 128 : i32
        %mul3A_228 = arith.muli %add3A_226, %mul3A_227 : i32
        %dma_start3A_229 = arith.constant 2 : i32
        %dma_start3A_230 = arith.constant 0 : i32
        %dma_start3A_231 = arith.constant 0 : i32
        %dma_start3A_232 = tpu.memref_slice %arg9[%dma_start3A_229, %dma_start3A_230, %dma_start3A_231] : memref<5x128x128xf32, #tpu.memory_space<vmem>> -> memref<1x128x128xf32, #tpu.memory_space<vmem>>
        %dma_start3A_233 = tpu.memref_squeeze %dma_start3A_232 : memref<1x128x128xf32, #tpu.memory_space<vmem>> -> memref<128x128xf32, #tpu.memory_space<vmem>>
        %dma_start3A_234 = arith.constant 0 : i32
        %dma_start3A_235 = tpu.memref_slice %arg2[%mul3A_228, %dma_start3A_234] : memref<320000x128xf32, #tpu.memory_space<hbm>> -> memref<128x128xf32, #tpu.memory_space<hbm>>
        %dma_start3A_236 = arith.constant 0 : i32
        %dma_start3A_237 = arith.constant 0 : i32
        %dma_start3A_238 = tpu.memref_slice %arg9[%dma_start3A_229, %dma_start3A_236, %dma_start3A_237] : memref<5x128x128xf32, #tpu.memory_space<vmem>> -> memref<1x128x128xf32, #tpu.memory_space<vmem>>
        %dma_start3A_239 = tpu.memref_squeeze %dma_start3A_238 : memref<1x128x128xf32, #tpu.memory_space<vmem>> -> memref<128x128xf32, #tpu.memory_space<vmem>>
        %dma_start3A_240 = arith.constant 0 : i32
        %dma_start3A_241 = tpu.memref_slice %arg2[%mul3A_228, %dma_start3A_240] : memref<320000x128xf32, #tpu.memory_space<hbm>> -> memref<128x128xf32, #tpu.memory_space<hbm>>
        tpu.enqueue_dma source(%dma_start3A_241 : memref<128x128xf32, #tpu.memory_space<hbm>>) target(%dma_start3A_239 : memref<128x128xf32, #tpu.memory_space<vmem>>) target_semaphore(%arg13 : memref<!tpu.dma_semaphore, #tpu.memory_space<semaphore_mem>>)
      } else {
      }
      %add3A_150 = arith.constant 3 : i32
      %add3A_151 = arith.addi %mul3A_134, %add3A_150 : i32
      %lt3A_152 = arith.cmpi slt, %add3A_151, %scan3A_104 : i32
      %convert_element_type3A_153 = arith.extui %lt3A_152 : i1 to i32
      %cond3A_154 = arith.constant 0 : i32
      %cond3A_155 = arith.cmpi ne, %convert_element_type3A_153, %cond3A_154 : i32
      scf.if %cond3A_155 {
        %add3A_222 = arith.constant 3 : i32
        %add3A_223 = arith.addi %mul3A_134, %add3A_222 : i32
        %mul3A_224 = arith.constant 32 : i32
        %mul3A_225 = arith.muli %mul3A_224, %add3A_223 : i32
        %add3A_226 = arith.addi %add3A, %mul3A_225 : i32
        %mul3A_227 = arith.constant 128 : i32
        %mul3A_228 = arith.muli %add3A_226, %mul3A_227 : i32
        %dma_start3A_229 = arith.constant 3 : i32
        %dma_start3A_230 = arith.constant 0 : i32
        %dma_start3A_231 = arith.constant 0 : i32
        %dma_start3A_232 = tpu.memref_slice %arg9[%dma_start3A_229, %dma_start3A_230, %dma_start3A_231] : memref<5x128x128xf32, #tpu.memory_space<vmem>> -> memref<1x128x128xf32, #tpu.memory_space<vmem>>
        %dma_start3A_233 = tpu.memref_squeeze %dma_start3A_232 : memref<1x128x128xf32, #tpu.memory_space<vmem>> -> memref<128x128xf32, #tpu.memory_space<vmem>>
        %dma_start3A_234 = arith.constant 0 : i32
        %dma_start3A_235 = tpu.memref_slice %arg2[%mul3A_228, %dma_start3A_234] : memref<320000x128xf32, #tpu.memory_space<hbm>> -> memref<128x128xf32, #tpu.memory_space<hbm>>
        %dma_start3A_236 = arith.constant 0 : i32
        %dma_start3A_237 = arith.constant 0 : i32
        %dma_start3A_238 = tpu.memref_slice %arg9[%dma_start3A_229, %dma_start3A_236, %dma_start3A_237] : memref<5x128x128xf32, #tpu.memory_space<vmem>> -> memref<1x128x128xf32, #tpu.memory_space<vmem>>
        %dma_start3A_239 = tpu.memref_squeeze %dma_start3A_238 : memref<1x128x128xf32, #tpu.memory_space<vmem>> -> memref<128x128xf32, #tpu.memory_space<vmem>>
        %dma_start3A_240 = arith.constant 0 : i32
        %dma_start3A_241 = tpu.memref_slice %arg2[%mul3A_228, %dma_start3A_240] : memref<320000x128xf32, #tpu.memory_space<hbm>> -> memref<128x128xf32, #tpu.memory_space<hbm>>
        tpu.enqueue_dma source(%dma_start3A_241 : memref<128x128xf32, #tpu.memory_space<hbm>>) target(%dma_start3A_239 : memref<128x128xf32, #tpu.memory_space<vmem>>) target_semaphore(%arg13 : memref<!tpu.dma_semaphore, #tpu.memory_space<semaphore_mem>>)
      } else {
      }
      %add3A_156 = arith.constant 4 : i32
      %add3A_157 = arith.addi %mul3A_134, %add3A_156 : i32
      %lt3A_158 = arith.cmpi slt, %add3A_157, %scan3A_104 : i32
      %convert_element_type3A_159 = arith.extui %lt3A_158 : i1 to i32
      %cond3A_160 = arith.constant 0 : i32
      %cond3A_161 = arith.cmpi ne, %convert_element_type3A_159, %cond3A_160 : i32
      scf.if %cond3A_161 {
        %add3A_222 = arith.constant 4 : i32
        %add3A_223 = arith.addi %mul3A_134, %add3A_222 : i32
        %mul3A_224 = arith.constant 32 : i32
        %mul3A_225 = arith.muli %mul3A_224, %add3A_223 : i32
        %add3A_226 = arith.addi %add3A, %mul3A_225 : i32
        %mul3A_227 = arith.constant 128 : i32
        %mul3A_228 = arith.muli %add3A_226, %mul3A_227 : i32
        %dma_start3A_229 = arith.constant 4 : i32
        %dma_start3A_230 = arith.constant 0 : i32
        %dma_start3A_231 = arith.constant 0 : i32
        %dma_start3A_232 = tpu.memref_slice %arg9[%dma_start3A_229, %dma_start3A_230, %dma_start3A_231] : memref<5x128x128xf32, #tpu.memory_space<vmem>> -> memref<1x128x128xf32, #tpu.memory_space<vmem>>
        %dma_start3A_233 = tpu.memref_squeeze %dma_start3A_232 : memref<1x128x128xf32, #tpu.memory_space<vmem>> -> memref<128x128xf32, #tpu.memory_space<vmem>>
        %dma_start3A_234 = arith.constant 0 : i32
        %dma_start3A_235 = tpu.memref_slice %arg2[%mul3A_228, %dma_start3A_234] : memref<320000x128xf32, #tpu.memory_space<hbm>> -> memref<128x128xf32, #tpu.memory_space<hbm>>
        %dma_start3A_236 = arith.constant 0 : i32
        %dma_start3A_237 = arith.constant 0 : i32
        %dma_start3A_238 = tpu.memref_slice %arg9[%dma_start3A_229, %dma_start3A_236, %dma_start3A_237] : memref<5x128x128xf32, #tpu.memory_space<vmem>> -> memref<1x128x128xf32, #tpu.memory_space<vmem>>
        %dma_start3A_239 = tpu.memref_squeeze %dma_start3A_238 : memref<1x128x128xf32, #tpu.memory_space<vmem>> -> memref<128x128xf32, #tpu.memory_space<vmem>>
        %dma_start3A_240 = arith.constant 0 : i32
        %dma_start3A_241 = tpu.memref_slice %arg2[%mul3A_228, %dma_start3A_240] : memref<320000x128xf32, #tpu.memory_space<hbm>> -> memref<128x128xf32, #tpu.memory_space<hbm>>
        tpu.enqueue_dma source(%dma_start3A_241 : memref<128x128xf32, #tpu.memory_space<hbm>>) target(%dma_start3A_239 : memref<128x128xf32, #tpu.memory_space<vmem>>) target_semaphore(%arg13 : memref<!tpu.dma_semaphore, #tpu.memory_space<semaphore_mem>>)
      } else {
      }
      %add3A_162 = arith.constant 0 : i32
      %add3A_163 = arith.addi %mul3A_134, %add3A_162 : i32
      %lt3A_164 = arith.cmpi slt, %add3A_163, %scan3A_104 : i32
      %convert_element_type3A_165 = arith.extui %lt3A_164 : i1 to i32
      %cond3A_166 = arith.constant 0 : i32
      %cond3A_167 = arith.cmpi ne, %convert_element_type3A_165, %cond3A_166 : i32
      scf.if %cond3A_167 {
        %add3A_222 = arith.constant 0 : i32
        %add3A_223 = arith.addi %mul3A_134, %add3A_222 : i32
        %mul3A_224 = arith.constant 32 : i32
        %mul3A_225 = arith.muli %mul3A_224, %add3A_223 : i32
        %add3A_226 = arith.addi %add3A, %mul3A_225 : i32
        %mul3A_227 = arith.constant 128 : i32
        %mul3A_228 = arith.muli %add3A_226, %mul3A_227 : i32
        %dma_wait3A_229 = arith.constant 0 : i32
        %dma_wait3A_230 = arith.constant 0 : i32
        %dma_wait3A_231 = arith.constant 0 : i32
        %dma_wait3A_232 = tpu.memref_slice %arg9[%dma_wait3A_229, %dma_wait3A_230, %dma_wait3A_231] : memref<5x128x128xf32, #tpu.memory_space<vmem>> -> memref<1x128x128xf32, #tpu.memory_space<vmem>>
        %dma_wait3A_233 = tpu.memref_squeeze %dma_wait3A_232 : memref<1x128x128xf32, #tpu.memory_space<vmem>> -> memref<128x128xf32, #tpu.memory_space<vmem>>
        %dma_wait3A_234 = arith.constant 0 : i32
        %dma_wait3A_235 = tpu.memref_slice %arg2[%mul3A_228, %dma_wait3A_234] : memref<320000x128xf32, #tpu.memory_space<hbm>> -> memref<128x128xf32, #tpu.memory_space<hbm>>
        %dma_wait3A_236 = arith.constant 0 : i32
        %dma_wait3A_237 = arith.constant 0 : i32
        %dma_wait3A_238 = tpu.memref_slice %arg9[%dma_wait3A_229, %dma_wait3A_236, %dma_wait3A_237] : memref<5x128x128xf32, #tpu.memory_space<vmem>> -> memref<1x128x128xf32, #tpu.memory_space<vmem>>
        %dma_wait3A_239 = tpu.memref_squeeze %dma_wait3A_238 : memref<1x128x128xf32, #tpu.memory_space<vmem>> -> memref<128x128xf32, #tpu.memory_space<vmem>>
        %dma_wait3A_240 = arith.constant 0 : i32
        %dma_wait3A_241 = tpu.memref_slice %arg2[%mul3A_228, %dma_wait3A_240] : memref<320000x128xf32, #tpu.memory_space<hbm>> -> memref<128x128xf32, #tpu.memory_space<hbm>>
        tpu.wait_dma2 semaphore(%arg13 : memref<!tpu.dma_semaphore, #tpu.memory_space<semaphore_mem>>) src(%dma_wait3A_241 : memref<128x128xf32, #tpu.memory_space<hbm>>) dst(%dma_wait3A_239 : memref<128x128xf32, #tpu.memory_space<vmem>>)
        %get3A = arith.index_cast %add3A_223 : i32 to index
        %get3A_242 = arith.constant 0 : index
        %get3A_243 = tpu.vector_load %arg7[%get3A, %get3A_242] {strides = array<i32>} : memref<80x128xi32, #tpu.memory_space<vmem>>, vector<1x16xi32>,
        %get3A_244 = vector.shape_cast %get3A_243 : vector<1x16xi32> to vector<16xi32>
        %min3A_245 = arith.constant 1024 : i32
        %min3A_246 = vector.broadcast %min3A_245 : i32 to vector<16xi32>
        %min3A_247 = arith.minsi %get3A_244, %min3A_246 : vector<16xi32>
        %swap3A_248 = arith.constant 0 : i32
        %swap3A_249 = arith.index_cast %swap3A_248 : i32 to index
        %swap3A_250 = arith.constant 0 : index
        %swap3A_251 = tpu.vector_load %arg8[%swap3A_249, %swap3A_250] {strides = array<i32>} : memref<5x128xi32, #tpu.memory_space<vmem>>, vector<1x16xi32>,
        %swap3A_252 = vector.shape_cast %swap3A_251 : vector<1x16xi32> to vector<16xi32>
        %swap3A_253 = vector.shape_cast %min3A_247 : vector<16xi32> to vector<1x16xi32>
        tpu.vector_store %arg8[%swap3A_249, %swap3A_250], %swap3A_253 {strides = array<i32>} : memref<5x128xi32, #tpu.memory_space<vmem>>, vector<1x16xi32>,
        %get3A_254 = arith.index_cast %add3A_223 : i32 to index
        %get3A_255 = arith.constant 16 : index
        %get3A_256 = tpu.vector_load %arg7[%get3A_254, %get3A_255] {strides = array<i32>} : memref<80x128xi32, #tpu.memory_space<vmem>>, vector<1x16xi32>,
        %get3A_257 = vector.shape_cast %get3A_256 : vector<1x16xi32> to vector<16xi32>
        %min3A_258 = arith.constant 1024 : i32
        %min3A_259 = vector.broadcast %min3A_258 : i32 to vector<16xi32>
        %min3A_260 = arith.minsi %get3A_257, %min3A_259 : vector<16xi32>
        %swap3A_261 = arith.constant 0 : i32
        %swap3A_262 = arith.index_cast %swap3A_261 : i32 to index
        %swap3A_263 = arith.constant 16 : index
        %swap3A_264 = tpu.vector_load %arg8[%swap3A_262, %swap3A_263] {strides = array<i32>} : memref<5x128xi32, #tpu.memory_space<vmem>>, vector<1x16xi32>,
        %swap3A_265 = vector.shape_cast %swap3A_264 : vector<1x16xi32> to vector<16xi32>
        %swap3A_266 = vector.shape_cast %min3A_260 : vector<16xi32> to vector<1x16xi32>
        tpu.vector_store %arg8[%swap3A_262, %swap3A_263], %swap3A_266 {strides = array<i32>} : memref<5x128xi32, #tpu.memory_space<vmem>>, vector<1x16xi32>,
        %get3A_267 = arith.index_cast %add3A_223 : i32 to index
        %get3A_268 = arith.constant 32 : index
        %get3A_269 = tpu.vector_load %arg7[%get3A_267, %get3A_268] {strides = array<i32>} : memref<80x128xi32, #tpu.memory_space<vmem>>, vector<1x16xi32>,
        %get3A_270 = vector.shape_cast %get3A_269 : vector<1x16xi32> to vector<16xi32>
        %min3A_271 = arith.constant 1024 : i32
        %min3A_272 = vector.broadcast %min3A_271 : i32 to vector<16xi32>
        %min3A_273 = arith.minsi %get3A_270, %min3A_272 : vector<16xi32>
        %swap3A_274 = arith.constant 0 : i32
        %swap3A_275 = arith.index_cast %swap3A_274 : i32 to index
        %swap3A_276 = arith.constant 32 : index
        %swap3A_277 = tpu.vector_load %arg8[%swap3A_275, %swap3A_276] {strides = array<i32>} : memref<5x128xi32, #tpu.memory_space<vmem>>, vector<1x16xi32>,
        %swap3A_278 = vector.shape_cast %swap3A_277 : vector<1x16xi32> to vector<16xi32>
        %swap3A_279 = vector.shape_cast %min3A_273 : vector<16xi32> to vector<1x16xi32>
        tpu.vector_store %arg8[%swap3A_275, %swap3A_276], %swap3A_279 {strides = array<i32>} : memref<5x128xi32, #tpu.memory_space<vmem>>, vector<1x16xi32>,
        %get3A_280 = arith.index_cast %add3A_223 : i32 to index
        %get3A_281 = arith.constant 48 : index
        %get3A_282 = tpu.vector_load %arg7[%get3A_280, %get3A_281] {strides = array<i32>} : memref<80x128xi32, #tpu.memory_space<vmem>>, vector<1x16xi32>,
        %get3A_283 = vector.shape_cast %get3A_282 : vector<1x16xi32> to vector<16xi32>
        %min3A_284 = arith.constant 1024 : i32
        %min3A_285 = vector.broadcast %min3A_284 : i32 to vector<16xi32>
        %min3A_286 = arith.minsi %get3A_283, %min3A_285 : vector<16xi32>
        %swap3A_287 = arith.constant 0 : i32
        %swap3A_288 = arith.index_cast %swap3A_287 : i32 to index
        %swap3A_289 = arith.constant 48 : index
        %swap3A_290 = tpu.vector_load %arg8[%swap3A_288, %swap3A_289] {strides = array<i32>} : memref<5x128xi32, #tpu.memory_space<vmem>>, vector<1x16xi32>,
        %swap3A_291 = vector.shape_cast %swap3A_290 : vector<1x16xi32> to vector<16xi32>
        %swap3A_292 = vector.shape_cast %min3A_286 : vector<16xi32> to vector<1x16xi32>
        tpu.vector_store %arg8[%swap3A_288, %swap3A_289], %swap3A_292 {strides = array<i32>} : memref<5x128xi32, #tpu.memory_space<vmem>>, vector<1x16xi32>,
        %get3A_293 = arith.index_cast %add3A_223 : i32 to index
        %get3A_294 = arith.constant 64 : index
        %get3A_295 = tpu.vector_load %arg7[%get3A_293, %get3A_294] {strides = array<i32>} : memref<80x128xi32, #tpu.memory_space<vmem>>, vector<1x16xi32>,
        %get3A_296 = vector.shape_cast %get3A_295 : vector<1x16xi32> to vector<16xi32>
        %min3A_297 = arith.constant 1024 : i32
        %min3A_298 = vector.broadcast %min3A_297 : i32 to vector<16xi32>
        %min3A_299 = arith.minsi %get3A_296, %min3A_298 : vector<16xi32>
        %swap3A_300 = arith.constant 0 : i32
        %swap3A_301 = arith.index_cast %swap3A_300 : i32 to index
        %swap3A_302 = arith.constant 64 : index
        %swap3A_303 = tpu.vector_load %arg8[%swap3A_301, %swap3A_302] {strides = array<i32>} : memref<5x128xi32, #tpu.memory_space<vmem>>, vector<1x16xi32>,
        %swap3A_304 = vector.shape_cast %swap3A_303 : vector<1x16xi32> to vector<16xi32>
        %swap3A_305 = vector.shape_cast %min3A_299 : vector<16xi32> to vector<1x16xi32>
        tpu.vector_store %arg8[%swap3A_301, %swap3A_302], %swap3A_305 {strides = array<i32>} : memref<5x128xi32, #tpu.memory_space<vmem>>, vector<1x16xi32>,
        %get3A_306 = arith.index_cast %add3A_223 : i32 to index
        %get3A_307 = arith.constant 80 : index
        %get3A_308 = tpu.vector_load %arg7[%get3A_306, %get3A_307] {strides = array<i32>} : memref<80x128xi32, #tpu.memory_space<vmem>>, vector<1x16xi32>,
        %get3A_309 = vector.shape_cast %get3A_308 : vector<1x16xi32> to vector<16xi32>
        %min3A_310 = arith.constant 1024 : i32
        %min3A_311 = vector.broadcast %min3A_310 : i32 to vector<16xi32>
        %min3A_312 = arith.minsi %get3A_309, %min3A_311 : vector<16xi32>
        %swap3A_313 = arith.constant 0 : i32
        %swap3A_314 = arith.index_cast %swap3A_313 : i32 to index
        %swap3A_315 = arith.constant 80 : index
        %swap3A_316 = tpu.vector_load %arg8[%swap3A_314, %swap3A_315] {strides = array<i32>} : memref<5x128xi32, #tpu.memory_space<vmem>>, vector<1x16xi32>,
        %swap3A_317 = vector.shape_cast %swap3A_316 : vector<1x16xi32> to vector<16xi32>
        %swap3A_318 = vector.shape_cast %min3A_312 : vector<16xi32> to vector<1x16xi32>
        tpu.vector_store %arg8[%swap3A_314, %swap3A_315], %swap3A_318 {strides = array<i32>} : memref<5x128xi32, #tpu.memory_space<vmem>>, vector<1x16xi32>,
        %get3A_319 = arith.index_cast %add3A_223 : i32 to index
        %get3A_320 = arith.constant 96 : index
        %get3A_321 = tpu.vector_load %arg7[%get3A_319, %get3A_320] {strides = array<i32>} : memref<80x128xi32, #tpu.memory_space<vmem>>, vector<1x16xi32>,
        %get3A_322 = vector.shape_cast %get3A_321 : vector<1x16xi32> to vector<16xi32>
        %min3A_323 = arith.constant 1024 : i32
        %min3A_324 = vector.broadcast %min3A_323 : i32 to vector<16xi32>
        %min3A_325 = arith.minsi %get3A_322, %min3A_324 : vector<16xi32>
        %swap3A_326 = arith.constant 0 : i32
        %swap3A_327 = arith.index_cast %swap3A_326 : i32 to index
        %swap3A_328 = arith.constant 96 : index
        %swap3A_329 = tpu.vector_load %arg8[%swap3A_327, %swap3A_328] {strides = array<i32>} : memref<5x128xi32, #tpu.memory_space<vmem>>, vector<1x16xi32>,
        %swap3A_330 = vector.shape_cast %swap3A_329 : vector<1x16xi32> to vector<16xi32>
        %swap3A_331 = vector.shape_cast %min3A_325 : vector<16xi32> to vector<1x16xi32>
        tpu.vector_store %arg8[%swap3A_327, %swap3A_328], %swap3A_331 {strides = array<i32>} : memref<5x128xi32, #tpu.memory_space<vmem>>, vector<1x16xi32>,
        %get3A_332 = arith.index_cast %add3A_223 : i32 to index
        %get3A_333 = arith.constant 112 : index
        %get3A_334 = tpu.vector_load %arg7[%get3A_332, %get3A_333] {strides = array<i32>} : memref<80x128xi32, #tpu.memory_space<vmem>>, vector<1x16xi32>,
        %get3A_335 = vector.shape_cast %get3A_334 : vector<1x16xi32> to vector<16xi32>
        %min3A_336 = arith.constant 1024 : i32
        %min3A_337 = vector.broadcast %min3A_336 : i32 to vector<16xi32>
        %min3A_338 = arith.minsi %get3A_335, %min3A_337 : vector<16xi32>
        %swap3A_339 = arith.constant 0 : i32
        %swap3A_340 = arith.index_cast %swap3A_339 : i32 to index
        %swap3A_341 = arith.constant 112 : index
        %swap3A_342 = tpu.vector_load %arg8[%swap3A_340, %swap3A_341] {strides = array<i32>} : memref<5x128xi32, #tpu.memory_space<vmem>>, vector<1x16xi32>,
        %swap3A_343 = vector.shape_cast %swap3A_342 : vector<1x16xi32> to vector<16xi32>
        %swap3A_344 = vector.shape_cast %min3A_338 : vector<16xi32> to vector<1x16xi32>
        tpu.vector_store %arg8[%swap3A_340, %swap3A_341], %swap3A_344 {strides = array<i32>} : memref<5x128xi32, #tpu.memory_space<vmem>>, vector<1x16xi32>,
        %dma_start3A_345 = arith.constant 0 : i32
        %dma_start3A_346 = arith.constant 0 : i32
        %dma_start3A_347 = arith.constant 0 : i32
        %dma_start3A_348 = arith.constant 0 : i32
        %dma_start3A_349 = tpu.memref_slice %arg9[%dma_start3A_345, %dma_start3A_347, %dma_start3A_348] : memref<5x128x128xf32, #tpu.memory_space<vmem>> -> memref<1x128x128xf32, #tpu.memory_space<vmem>>
        %dma_start3A_350 = tpu.memref_squeeze %dma_start3A_349 : memref<1x128x128xf32, #tpu.memory_space<vmem>> -> memref<128x128xf32, #tpu.memory_space<vmem>>
        %dma_start3A_351 = arith.constant 0 : i32
        %dma_start3A_352 = tpu.memref_slice %arg8[%dma_start3A_346, %dma_start3A_351] : memref<5x128xi32, #tpu.memory_space<vmem>> -> memref<1x128xi32, #tpu.memory_space<vmem>>
        %dma_start3A_353 = tpu.memref_squeeze %dma_start3A_352 : memref<1x128xi32, #tpu.memory_space<vmem>> -> memref<128xi32, #tpu.memory_space<vmem>>
        %dma_start3A_354 = arith.constant 0 : i32
        %dma_start3A_355 = arith.constant 0 : i32
        %dma_start3A_356 = tpu.memref_slice %arg11[%dma_start3A_354, %dma_start3A_355] : memref<1152x128xf32, #tpu.memory_space<vmem_shared>> -> memref<1152x128xf32, #tpu.memory_space<vmem_shared>>
        tpu.enqueue_indirect_dma source(%dma_start3A_350 : memref<128x128xf32, #tpu.memory_space<vmem>>) target(%dma_start3A_356 : memref<1152x128xf32, #tpu.memory_space<vmem_shared>>) offsets(%dma_start3A_353 : memref<128xi32, #tpu.memory_space<vmem>>) semaphore(%arg14 : memref<!tpu.dma_semaphore, #tpu.memory_space<semaphore_mem>>) {add = true}
        %dma_start3A_357 = arith.constant 0 : i32
        %dma_start3A_358 = arith.constant 0 : i32
        %dma_start3A_359 = tpu.memref_slice %arg8[%dma_start3A_357, %dma_start3A_358] : memref<5x128xi32, #tpu.memory_space<vmem>> -> memref<1x128xi32, #tpu.memory_space<vmem>>
        %dma_start3A_360 = tpu.memref_squeeze %dma_start3A_359 : memref<1x128xi32, #tpu.memory_space<vmem>> -> memref<128xi32, #tpu.memory_space<vmem>>
        %dma_start3A_361 = arith.constant 0 : i32
        %dma_start3A_362 = arith.constant 0 : i32
        %dma_start3A_363 = tpu.memref_slice %arg12[%dma_start3A_361, %dma_start3A_362] : memref<1152x128xf32, #tpu.memory_space<vmem_shared>> -> memref<1152x128xf32, #tpu.memory_space<vmem_shared>>
        tpu.enqueue_indirect_dma source(%arg10 : memref<128x128xf32, #tpu.memory_space<vmem>>) target(%dma_start3A_363 : memref<1152x128xf32, #tpu.memory_space<vmem_shared>>) offsets(%dma_start3A_360 : memref<128xi32, #tpu.memory_space<vmem>>) semaphore(%arg15 : memref<!tpu.dma_semaphore, #tpu.memory_space<semaphore_mem>>) {add = true}
      } else {
      }
      %add3A_168 = arith.constant 1 : i32
      %add3A_169 = arith.addi %mul3A_134, %add3A_168 : i32
      %lt3A_170 = arith.cmpi slt, %add3A_169, %scan3A_104 : i32
      %convert_element_type3A_171 = arith.extui %lt3A_170 : i1 to i32
      %cond3A_172 = arith.constant 0 : i32
      %cond3A_173 = arith.cmpi ne, %convert_element_type3A_171, %cond3A_172 : i32
      scf.if %cond3A_173 {
        %add3A_222 = arith.constant 1 : i32
        %add3A_223 = arith.addi %mul3A_134, %add3A_222 : i32
        %mul3A_224 = arith.constant 32 : i32
        %mul3A_225 = arith.muli %mul3A_224, %add3A_223 : i32
        %add3A_226 = arith.addi %add3A, %mul3A_225 : i32
        %mul3A_227 = arith.constant 128 : i32
        %mul3A_228 = arith.muli %add3A_226, %mul3A_227 : i32
        %dma_wait3A_229 = arith.constant 1 : i32
        %dma_wait3A_230 = arith.constant 0 : i32
        %dma_wait3A_231 = arith.constant 0 : i32
        %dma_wait3A_232 = tpu.memref_slice %arg9[%dma_wait3A_229, %dma_wait3A_230, %dma_wait3A_231] : memref<5x128x128xf32, #tpu.memory_space<vmem>> -> memref<1x128x128xf32, #tpu.memory_space<vmem>>
        %dma_wait3A_233 = tpu.memref_squeeze %dma_wait3A_232 : memref<1x128x128xf32, #tpu.memory_space<vmem>> -> memref<128x128xf32, #tpu.memory_space<vmem>>
        %dma_wait3A_234 = arith.constant 0 : i32
        %dma_wait3A_235 = tpu.memref_slice %arg2[%mul3A_228, %dma_wait3A_234] : memref<320000x128xf32, #tpu.memory_space<hbm>> -> memref<128x128xf32, #tpu.memory_space<hbm>>
        %dma_wait3A_236 = arith.constant 0 : i32
        %dma_wait3A_237 = arith.constant 0 : i32
        %dma_wait3A_238 = tpu.memref_slice %arg9[%dma_wait3A_229, %dma_wait3A_236, %dma_wait3A_237] : memref<5x128x128xf32, #tpu.memory_space<vmem>> -> memref<1x128x128xf32, #tpu.memory_space<vmem>>
        %dma_wait3A_239 = tpu.memref_squeeze %dma_wait3A_238 : memref<1x128x128xf32, #tpu.memory_space<vmem>> -> memref<128x128xf32, #tpu.memory_space<vmem>>
        %dma_wait3A_240 = arith.constant 0 : i32
        %dma_wait3A_241 = tpu.memref_slice %arg2[%mul3A_228, %dma_wait3A_240] : memref<320000x128xf32, #tpu.memory_space<hbm>> -> memref<128x128xf32, #tpu.memory_space<hbm>>
        tpu.wait_dma2 semaphore(%arg13 : memref<!tpu.dma_semaphore, #tpu.memory_space<semaphore_mem>>) src(%dma_wait3A_241 : memref<128x128xf32, #tpu.memory_space<hbm>>) dst(%dma_wait3A_239 : memref<128x128xf32, #tpu.memory_space<vmem>>)
        %get3A = arith.index_cast %add3A_223 : i32 to index
        %get3A_242 = arith.constant 0 : index
        %get3A_243 = tpu.vector_load %arg7[%get3A, %get3A_242] {strides = array<i32>} : memref<80x128xi32, #tpu.memory_space<vmem>>, vector<1x16xi32>,
        %get3A_244 = vector.shape_cast %get3A_243 : vector<1x16xi32> to vector<16xi32>
        %min3A_245 = arith.constant 1024 : i32
        %min3A_246 = vector.broadcast %min3A_245 : i32 to vector<16xi32>
        %min3A_247 = arith.minsi %get3A_244, %min3A_246 : vector<16xi32>
        %swap3A_248 = arith.constant 1 : i32
        %swap3A_249 = arith.index_cast %swap3A_248 : i32 to index
        %swap3A_250 = arith.constant 0 : index
        %swap3A_251 = tpu.vector_load %arg8[%swap3A_249, %swap3A_250] {strides = array<i32>} : memref<5x128xi32, #tpu.memory_space<vmem>>, vector<1x16xi32>,
        %swap3A_252 = vector.shape_cast %swap3A_251 : vector<1x16xi32> to vector<16xi32>
        %swap3A_253 = vector.shape_cast %min3A_247 : vector<16xi32> to vector<1x16xi32>
        tpu.vector_store %arg8[%swap3A_249, %swap3A_250], %swap3A_253 {strides = array<i32>} : memref<5x128xi32, #tpu.memory_space<vmem>>, vector<1x16xi32>,
        %get3A_254 = arith.index_cast %add3A_223 : i32 to index
        %get3A_255 = arith.constant 16 : index
        %get3A_256 = tpu.vector_load %arg7[%get3A_254, %get3A_255] {strides = array<i32>} : memref<80x128xi32, #tpu.memory_space<vmem>>, vector<1x16xi32>,
        %get3A_257 = vector.shape_cast %get3A_256 : vector<1x16xi32> to vector<16xi32>
        %min3A_258 = arith.constant 1024 : i32
        %min3A_259 = vector.broadcast %min3A_258 : i32 to vector<16xi32>
        %min3A_260 = arith.minsi %get3A_257, %min3A_259 : vector<16xi32>
        %swap3A_261 = arith.constant 1 : i32
        %swap3A_262 = arith.index_cast %swap3A_261 : i32 to index
        %swap3A_263 = arith.constant 16 : index
        %swap3A_264 = tpu.vector_load %arg8[%swap3A_262, %swap3A_263] {strides = array<i32>} : memref<5x128xi32, #tpu.memory_space<vmem>>, vector<1x16xi32>,
        %swap3A_265 = vector.shape_cast %swap3A_264 : vector<1x16xi32> to vector<16xi32>
        %swap3A_266 = vector.shape_cast %min3A_260 : vector<16xi32> to vector<1x16xi32>
        tpu.vector_store %arg8[%swap3A_262, %swap3A_263], %swap3A_266 {strides = array<i32>} : memref<5x128xi32, #tpu.memory_space<vmem>>, vector<1x16xi32>,
        %get3A_267 = arith.index_cast %add3A_223 : i32 to index
        %get3A_268 = arith.constant 32 : index
        %get3A_269 = tpu.vector_load %arg7[%get3A_267, %get3A_268] {strides = array<i32>} : memref<80x128xi32, #tpu.memory_space<vmem>>, vector<1x16xi32>,
        %get3A_270 = vector.shape_cast %get3A_269 : vector<1x16xi32> to vector<16xi32>
        %min3A_271 = arith.constant 1024 : i32
        %min3A_272 = vector.broadcast %min3A_271 : i32 to vector<16xi32>
        %min3A_273 = arith.minsi %get3A_270, %min3A_272 : vector<16xi32>
        %swap3A_274 = arith.constant 1 : i32
        %swap3A_275 = arith.index_cast %swap3A_274 : i32 to index
        %swap3A_276 = arith.constant 32 : index
        %swap3A_277 = tpu.vector_load %arg8[%swap3A_275, %swap3A_276] {strides = array<i32>} : memref<5x128xi32, #tpu.memory_space<vmem>>, vector<1x16xi32>,
        %swap3A_278 = vector.shape_cast %swap3A_277 : vector<1x16xi32> to vector<16xi32>
        %swap3A_279 = vector.shape_cast %min3A_273 : vector<16xi32> to vector<1x16xi32>
        tpu.vector_store %arg8[%swap3A_275, %swap3A_276], %swap3A_279 {strides = array<i32>} : memref<5x128xi32, #tpu.memory_space<vmem>>, vector<1x16xi32>,
        %get3A_280 = arith.index_cast %add3A_223 : i32 to index
        %get3A_281 = arith.constant 48 : index
        %get3A_282 = tpu.vector_load %arg7[%get3A_280, %get3A_281] {strides = array<i32>} : memref<80x128xi32, #tpu.memory_space<vmem>>, vector<1x16xi32>,
        %get3A_283 = vector.shape_cast %get3A_282 : vector<1x16xi32> to vector<16xi32>
        %min3A_284 = arith.constant 1024 : i32
        %min3A_285 = vector.broadcast %min3A_284 : i32 to vector<16xi32>
        %min3A_286 = arith.minsi %get3A_283, %min3A_285 : vector<16xi32>
        %swap3A_287 = arith.constant 1 : i32
        %swap3A_288 = arith.index_cast %swap3A_287 : i32 to index
        %swap3A_289 = arith.constant 48 : index
        %swap3A_290 = tpu.vector_load %arg8[%swap3A_288, %swap3A_289] {strides = array<i32>} : memref<5x128xi32, #tpu.memory_space<vmem>>, vector<1x16xi32>,
        %swap3A_291 = vector.shape_cast %swap3A_290 : vector<1x16xi32> to vector<16xi32>
        %swap3A_292 = vector.shape_cast %min3A_286 : vector<16xi32> to vector<1x16xi32>
        tpu.vector_store %arg8[%swap3A_288, %swap3A_289], %swap3A_292 {strides = array<i32>} : memref<5x128xi32, #tpu.memory_space<vmem>>, vector<1x16xi32>,
        %get3A_293 = arith.index_cast %add3A_223 : i32 to index
        %get3A_294 = arith.constant 64 : index
        %get3A_295 = tpu.vector_load %arg7[%get3A_293, %get3A_294] {strides = array<i32>} : memref<80x128xi32, #tpu.memory_space<vmem>>, vector<1x16xi32>,
        %get3A_296 = vector.shape_cast %get3A_295 : vector<1x16xi32> to vector<16xi32>
        %min3A_297 = arith.constant 1024 : i32
        %min3A_298 = vector.broadcast %min3A_297 : i32 to vector<16xi32>
        %min3A_299 = arith.minsi %get3A_296, %min3A_298 : vector<16xi32>
        %swap3A_300 = arith.constant 1 : i32
        %swap3A_301 = arith.index_cast %swap3A_300 : i32 to index
        %swap3A_302 = arith.constant 64 : index
        %swap3A_303 = tpu.vector_load %arg8[%swap3A_301, %swap3A_302] {strides = array<i32>} : memref<5x128xi32, #tpu.memory_space<vmem>>, vector<1x16xi32>,
        %swap3A_304 = vector.shape_cast %swap3A_303 : vector<1x16xi32> to vector<16xi32>
        %swap3A_305 = vector.shape_cast %min3A_299 : vector<16xi32> to vector<1x16xi32>
        tpu.vector_store %arg8[%swap3A_301, %swap3A_302], %swap3A_305 {strides = array<i32>} : memref<5x128xi32, #tpu.memory_space<vmem>>, vector<1x16xi32>,
        %get3A_306 = arith.index_cast %add3A_223 : i32 to index
        %get3A_307 = arith.constant 80 : index
        %get3A_308 = tpu.vector_load %arg7[%get3A_306, %get3A_307] {strides = array<i32>} : memref<80x128xi32, #tpu.memory_space<vmem>>, vector<1x16xi32>,
        %get3A_309 = vector.shape_cast %get3A_308 : vector<1x16xi32> to vector<16xi32>
        %min3A_310 = arith.constant 1024 : i32
        %min3A_311 = vector.broadcast %min3A_310 : i32 to vector<16xi32>
        %min3A_312 = arith.minsi %get3A_309, %min3A_311 : vector<16xi32>
        %swap3A_313 = arith.constant 1 : i32
        %swap3A_314 = arith.index_cast %swap3A_313 : i32 to index
        %swap3A_315 = arith.constant 80 : index
        %swap3A_316 = tpu.vector_load %arg8[%swap3A_314, %swap3A_315] {strides = array<i32>} : memref<5x128xi32, #tpu.memory_space<vmem>>, vector<1x16xi32>,
        %swap3A_317 = vector.shape_cast %swap3A_316 : vector<1x16xi32> to vector<16xi32>
        %swap3A_318 = vector.shape_cast %min3A_312 : vector<16xi32> to vector<1x16xi32>
        tpu.vector_store %arg8[%swap3A_314, %swap3A_315], %swap3A_318 {strides = array<i32>} : memref<5x128xi32, #tpu.memory_space<vmem>>, vector<1x16xi32>,
        %get3A_319 = arith.index_cast %add3A_223 : i32 to index
        %get3A_320 = arith.constant 96 : index
        %get3A_321 = tpu.vector_load %arg7[%get3A_319, %get3A_320] {strides = array<i32>} : memref<80x128xi32, #tpu.memory_space<vmem>>, vector<1x16xi32>,
        %get3A_322 = vector.shape_cast %get3A_321 : vector<1x16xi32> to vector<16xi32>
        %min3A_323 = arith.constant 1024 : i32
        %min3A_324 = vector.broadcast %min3A_323 : i32 to vector<16xi32>
        %min3A_325 = arith.minsi %get3A_322, %min3A_324 : vector<16xi32>
        %swap3A_326 = arith.constant 1 : i32
        %swap3A_327 = arith.index_cast %swap3A_326 : i32 to index
        %swap3A_328 = arith.constant 96 : index
        %swap3A_329 = tpu.vector_load %arg8[%swap3A_327, %swap3A_328] {strides = array<i32>} : memref<5x128xi32, #tpu.memory_space<vmem>>, vector<1x16xi32>,
        %swap3A_330 = vector.shape_cast %swap3A_329 : vector<1x16xi32> to vector<16xi32>
        %swap3A_331 = vector.shape_cast %min3A_325 : vector<16xi32> to vector<1x16xi32>
        tpu.vector_store %arg8[%swap3A_327, %swap3A_328], %swap3A_331 {strides = array<i32>} : memref<5x128xi32, #tpu.memory_space<vmem>>, vector<1x16xi32>,
        %get3A_332 = arith.index_cast %add3A_223 : i32 to index
        %get3A_333 = arith.constant 112 : index
        %get3A_334 = tpu.vector_load %arg7[%get3A_332, %get3A_333] {strides = array<i32>} : memref<80x128xi32, #tpu.memory_space<vmem>>, vector<1x16xi32>,
        %get3A_335 = vector.shape_cast %get3A_334 : vector<1x16xi32> to vector<16xi32>
        %min3A_336 = arith.constant 1024 : i32
        %min3A_337 = vector.broadcast %min3A_336 : i32 to vector<16xi32>
        %min3A_338 = arith.minsi %get3A_335, %min3A_337 : vector<16xi32>
        %swap3A_339 = arith.constant 1 : i32
        %swap3A_340 = arith.index_cast %swap3A_339 : i32 to index
        %swap3A_341 = arith.constant 112 : index
        %swap3A_342 = tpu.vector_load %arg8[%swap3A_340, %swap3A_341] {strides = array<i32>} : memref<5x128xi32, #tpu.memory_space<vmem>>, vector<1x16xi32>,
        %swap3A_343 = vector.shape_cast %swap3A_342 : vector<1x16xi32> to vector<16xi32>
        %swap3A_344 = vector.shape_cast %min3A_338 : vector<16xi32> to vector<1x16xi32>
        tpu.vector_store %arg8[%swap3A_340, %swap3A_341], %swap3A_344 {strides = array<i32>} : memref<5x128xi32, #tpu.memory_space<vmem>>, vector<1x16xi32>,
        %dma_start3A_345 = arith.constant 1 : i32
        %dma_start3A_346 = arith.constant 1 : i32
        %dma_start3A_347 = arith.constant 0 : i32
        %dma_start3A_348 = arith.constant 0 : i32
        %dma_start3A_349 = tpu.memref_slice %arg9[%dma_start3A_345, %dma_start3A_347, %dma_start3A_348] : memref<5x128x128xf32, #tpu.memory_space<vmem>> -> memref<1x128x128xf32, #tpu.memory_space<vmem>>
        %dma_start3A_350 = tpu.memref_squeeze %dma_start3A_349 : memref<1x128x128xf32, #tpu.memory_space<vmem>> -> memref<128x128xf32, #tpu.memory_space<vmem>>
        %dma_start3A_351 = arith.constant 0 : i32
        %dma_start3A_352 = tpu.memref_slice %arg8[%dma_start3A_346, %dma_start3A_351] : memref<5x128xi32, #tpu.memory_space<vmem>> -> memref<1x128xi32, #tpu.memory_space<vmem>>
        %dma_start3A_353 = tpu.memref_squeeze %dma_start3A_352 : memref<1x128xi32, #tpu.memory_space<vmem>> -> memref<128xi32, #tpu.memory_space<vmem>>
        %dma_start3A_354 = arith.constant 0 : i32
        %dma_start3A_355 = arith.constant 0 : i32
        %dma_start3A_356 = tpu.memref_slice %arg11[%dma_start3A_354, %dma_start3A_355] : memref<1152x128xf32, #tpu.memory_space<vmem_shared>> -> memref<1152x128xf32, #tpu.memory_space<vmem_shared>>
        tpu.enqueue_indirect_dma source(%dma_start3A_350 : memref<128x128xf32, #tpu.memory_space<vmem>>) target(%dma_start3A_356 : memref<1152x128xf32, #tpu.memory_space<vmem_shared>>) offsets(%dma_start3A_353 : memref<128xi32, #tpu.memory_space<vmem>>) semaphore(%arg14 : memref<!tpu.dma_semaphore, #tpu.memory_space<semaphore_mem>>) {add = true}
        %dma_start3A_357 = arith.constant 1 : i32
        %dma_start3A_358 = arith.constant 0 : i32
        %dma_start3A_359 = tpu.memref_slice %arg8[%dma_start3A_357, %dma_start3A_358] : memref<5x128xi32, #tpu.memory_space<vmem>> -> memref<1x128xi32, #tpu.memory_space<vmem>>
        %dma_start3A_360 = tpu.memref_squeeze %dma_start3A_359 : memref<1x128xi32, #tpu.memory_space<vmem>> -> memref<128xi32, #tpu.memory_space<vmem>>
        %dma_start3A_361 = arith.constant 0 : i32
        %dma_start3A_362 = arith.constant 0 : i32
        %dma_start3A_363 = tpu.memref_slice %arg12[%dma_start3A_361, %dma_start3A_362] : memref<1152x128xf32, #tpu.memory_space<vmem_shared>> -> memref<1152x128xf32, #tpu.memory_space<vmem_shared>>
        tpu.enqueue_indirect_dma source(%arg10 : memref<128x128xf32, #tpu.memory_space<vmem>>) target(%dma_start3A_363 : memref<1152x128xf32, #tpu.memory_space<vmem_shared>>) offsets(%dma_start3A_360 : memref<128xi32, #tpu.memory_space<vmem>>) semaphore(%arg15 : memref<!tpu.dma_semaphore, #tpu.memory_space<semaphore_mem>>) {add = true}
      } else {
      }
      %add3A_174 = arith.constant 2 : i32
      %add3A_175 = arith.addi %mul3A_134, %add3A_174 : i32
      %lt3A_176 = arith.cmpi slt, %add3A_175, %scan3A_104 : i32
      %convert_element_type3A_177 = arith.extui %lt3A_176 : i1 to i32
      %cond3A_178 = arith.constant 0 : i32
      %cond3A_179 = arith.cmpi ne, %convert_element_type3A_177, %cond3A_178 : i32
      scf.if %cond3A_179 {
        %add3A_222 = arith.constant 2 : i32
        %add3A_223 = arith.addi %mul3A_134, %add3A_222 : i32
        %mul3A_224 = arith.constant 32 : i32
        %mul3A_225 = arith.muli %mul3A_224, %add3A_223 : i32
        %add3A_226 = arith.addi %add3A, %mul3A_225 : i32
        %mul3A_227 = arith.constant 128 : i32
        %mul3A_228 = arith.muli %add3A_226, %mul3A_227 : i32
        %dma_wait3A_229 = arith.constant 2 : i32
        %dma_wait3A_230 = arith.constant 0 : i32
        %dma_wait3A_231 = arith.constant 0 : i32
        %dma_wait3A_232 = tpu.memref_slice %arg9[%dma_wait3A_229, %dma_wait3A_230, %dma_wait3A_231] : memref<5x128x128xf32, #tpu.memory_space<vmem>> -> memref<1x128x128xf32, #tpu.memory_space<vmem>>
        %dma_wait3A_233 = tpu.memref_squeeze %dma_wait3A_232 : memref<1x128x128xf32, #tpu.memory_space<vmem>> -> memref<128x128xf32, #tpu.memory_space<vmem>>
        %dma_wait3A_234 = arith.constant 0 : i32
        %dma_wait3A_235 = tpu.memref_slice %arg2[%mul3A_228, %dma_wait3A_234] : memref<320000x128xf32, #tpu.memory_space<hbm>> -> memref<128x128xf32, #tpu.memory_space<hbm>>
        %dma_wait3A_236 = arith.constant 0 : i32
        %dma_wait3A_237 = arith.constant 0 : i32
        %dma_wait3A_238 = tpu.memref_slice %arg9[%dma_wait3A_229, %dma_wait3A_236, %dma_wait3A_237] : memref<5x128x128xf32, #tpu.memory_space<vmem>> -> memref<1x128x128xf32, #tpu.memory_space<vmem>>
        %dma_wait3A_239 = tpu.memref_squeeze %dma_wait3A_238 : memref<1x128x128xf32, #tpu.memory_space<vmem>> -> memref<128x128xf32, #tpu.memory_space<vmem>>
        %dma_wait3A_240 = arith.constant 0 : i32
        %dma_wait3A_241 = tpu.memref_slice %arg2[%mul3A_228, %dma_wait3A_240] : memref<320000x128xf32, #tpu.memory_space<hbm>> -> memref<128x128xf32, #tpu.memory_space<hbm>>
        tpu.wait_dma2 semaphore(%arg13 : memref<!tpu.dma_semaphore, #tpu.memory_space<semaphore_mem>>) src(%dma_wait3A_241 : memref<128x128xf32, #tpu.memory_space<hbm>>) dst(%dma_wait3A_239 : memref<128x128xf32, #tpu.memory_space<vmem>>)
        %get3A = arith.index_cast %add3A_223 : i32 to index
        %get3A_242 = arith.constant 0 : index
        %get3A_243 = tpu.vector_load %arg7[%get3A, %get3A_242] {strides = array<i32>} : memref<80x128xi32, #tpu.memory_space<vmem>>, vector<1x16xi32>,
        %get3A_244 = vector.shape_cast %get3A_243 : vector<1x16xi32> to vector<16xi32>
        %min3A_245 = arith.constant 1024 : i32
        %min3A_246 = vector.broadcast %min3A_245 : i32 to vector<16xi32>
        %min3A_247 = arith.minsi %get3A_244, %min3A_246 : vector<16xi32>
        %swap3A_248 = arith.constant 2 : i32
        %swap3A_249 = arith.index_cast %swap3A_248 : i32 to index
        %swap3A_250 = arith.constant 0 : index
        %swap3A_251 = tpu.vector_load %arg8[%swap3A_249, %swap3A_250] {strides = array<i32>} : memref<5x128xi32, #tpu.memory_space<vmem>>, vector<1x16xi32>,
        %swap3A_252 = vector.shape_cast %swap3A_251 : vector<1x16xi32> to vector<16xi32>
        %swap3A_253 = vector.shape_cast %min3A_247 : vector<16xi32> to vector<1x16xi32>
        tpu.vector_store %arg8[%swap3A_249, %swap3A_250], %swap3A_253 {strides = array<i32>} : memref<5x128xi32, #tpu.memory_space<vmem>>, vector<1x16xi32>,
        %get3A_254 = arith.index_cast %add3A_223 : i32 to index
        %get3A_255 = arith.constant 16 : index
        %get3A_256 = tpu.vector_load %arg7[%get3A_254, %get3A_255] {strides = array<i32>} : memref<80x128xi32, #tpu.memory_space<vmem>>, vector<1x16xi32>,
        %get3A_257 = vector.shape_cast %get3A_256 : vector<1x16xi32> to vector<16xi32>
        %min3A_258 = arith.constant 1024 : i32
        %min3A_259 = vector.broadcast %min3A_258 : i32 to vector<16xi32>
        %min3A_260 = arith.minsi %get3A_257, %min3A_259 : vector<16xi32>
        %swap3A_261 = arith.constant 2 : i32
        %swap3A_262 = arith.index_cast %swap3A_261 : i32 to index
        %swap3A_263 = arith.constant 16 : index
        %swap3A_264 = tpu.vector_load %arg8[%swap3A_262, %swap3A_263] {strides = array<i32>} : memref<5x128xi32, #tpu.memory_space<vmem>>, vector<1x16xi32>,
        %swap3A_265 = vector.shape_cast %swap3A_264 : vector<1x16xi32> to vector<16xi32>
        %swap3A_266 = vector.shape_cast %min3A_260 : vector<16xi32> to vector<1x16xi32>
        tpu.vector_store %arg8[%swap3A_262, %swap3A_263], %swap3A_266 {strides = array<i32>} : memref<5x128xi32, #tpu.memory_space<vmem>>, vector<1x16xi32>,
        %get3A_267 = arith.index_cast %add3A_223 : i32 to index
        %get3A_268 = arith.constant 32 : index
        %get3A_269 = tpu.vector_load %arg7[%get3A_267, %get3A_268] {strides = array<i32>} : memref<80x128xi32, #tpu.memory_space<vmem>>, vector<1x16xi32>,
        %get3A_270 = vector.shape_cast %get3A_269 : vector<1x16xi32> to vector<16xi32>
        %min3A_271 = arith.constant 1024 : i32
        %min3A_272 = vector.broadcast %min3A_271 : i32 to vector<16xi32>
        %min3A_273 = arith.minsi %get3A_270, %min3A_272 : vector<16xi32>
        %swap3A_274 = arith.constant 2 : i32
        %swap3A_275 = arith.index_cast %swap3A_274 : i32 to index
        %swap3A_276 = arith.constant 32 : index
        %swap3A_277 = tpu.vector_load %arg8[%swap3A_275, %swap3A_276] {strides = array<i32>} : memref<5x128xi32, #tpu.memory_space<vmem>>, vector<1x16xi32>,
        %swap3A_278 = vector.shape_cast %swap3A_277 : vector<1x16xi32> to vector<16xi32>
        %swap3A_279 = vector.shape_cast %min3A_273 : vector<16xi32> to vector<1x16xi32>
        tpu.vector_store %arg8[%swap3A_275, %swap3A_276], %swap3A_279 {strides = array<i32>} : memref<5x128xi32, #tpu.memory_space<vmem>>, vector<1x16xi32>,
        %get3A_280 = arith.index_cast %add3A_223 : i32 to index
        %get3A_281 = arith.constant 48 : index
        %get3A_282 = tpu.vector_load %arg7[%get3A_280, %get3A_281] {strides = array<i32>} : memref<80x128xi32, #tpu.memory_space<vmem>>, vector<1x16xi32>,
        %get3A_283 = vector.shape_cast %get3A_282 : vector<1x16xi32> to vector<16xi32>
        %min3A_284 = arith.constant 1024 : i32
        %min3A_285 = vector.broadcast %min3A_284 : i32 to vector<16xi32>
        %min3A_286 = arith.minsi %get3A_283, %min3A_285 : vector<16xi32>
        %swap3A_287 = arith.constant 2 : i32
        %swap3A_288 = arith.index_cast %swap3A_287 : i32 to index
        %swap3A_289 = arith.constant 48 : index
        %swap3A_290 = tpu.vector_load %arg8[%swap3A_288, %swap3A_289] {strides = array<i32>} : memref<5x128xi32, #tpu.memory_space<vmem>>, vector<1x16xi32>,
        %swap3A_291 = vector.shape_cast %swap3A_290 : vector<1x16xi32> to vector<16xi32>
        %swap3A_292 = vector.shape_cast %min3A_286 : vector<16xi32> to vector<1x16xi32>
        tpu.vector_store %arg8[%swap3A_288, %swap3A_289], %swap3A_292 {strides = array<i32>} : memref<5x128xi32, #tpu.memory_space<vmem>>, vector<1x16xi32>,
        %get3A_293 = arith.index_cast %add3A_223 : i32 to index
        %get3A_294 = arith.constant 64 : index
        %get3A_295 = tpu.vector_load %arg7[%get3A_293, %get3A_294] {strides = array<i32>} : memref<80x128xi32, #tpu.memory_space<vmem>>, vector<1x16xi32>,
        %get3A_296 = vector.shape_cast %get3A_295 : vector<1x16xi32> to vector<16xi32>
        %min3A_297 = arith.constant 1024 : i32
        %min3A_298 = vector.broadcast %min3A_297 : i32 to vector<16xi32>
        %min3A_299 = arith.minsi %get3A_296, %min3A_298 : vector<16xi32>
        %swap3A_300 = arith.constant 2 : i32
        %swap3A_301 = arith.index_cast %swap3A_300 : i32 to index
        %swap3A_302 = arith.constant 64 : index
        %swap3A_303 = tpu.vector_load %arg8[%swap3A_301, %swap3A_302] {strides = array<i32>} : memref<5x128xi32, #tpu.memory_space<vmem>>, vector<1x16xi32>,
        %swap3A_304 = vector.shape_cast %swap3A_303 : vector<1x16xi32> to vector<16xi32>
        %swap3A_305 = vector.shape_cast %min3A_299 : vector<16xi32> to vector<1x16xi32>
        tpu.vector_store %arg8[%swap3A_301, %swap3A_302], %swap3A_305 {strides = array<i32>} : memref<5x128xi32, #tpu.memory_space<vmem>>, vector<1x16xi32>,
        %get3A_306 = arith.index_cast %add3A_223 : i32 to index
        %get3A_307 = arith.constant 80 : index
        %get3A_308 = tpu.vector_load %arg7[%get3A_306, %get3A_307] {strides = array<i32>} : memref<80x128xi32, #tpu.memory_space<vmem>>, vector<1x16xi32>,
        %get3A_309 = vector.shape_cast %get3A_308 : vector<1x16xi32> to vector<16xi32>
        %min3A_310 = arith.constant 1024 : i32
        %min3A_311 = vector.broadcast %min3A_310 : i32 to vector<16xi32>
        %min3A_312 = arith.minsi %get3A_309, %min3A_311 : vector<16xi32>
        %swap3A_313 = arith.constant 2 : i32
        %swap3A_314 = arith.index_cast %swap3A_313 : i32 to index
        %swap3A_315 = arith.constant 80 : index
        %swap3A_316 = tpu.vector_load %arg8[%swap3A_314, %swap3A_315] {strides = array<i32>} : memref<5x128xi32, #tpu.memory_space<vmem>>, vector<1x16xi32>,
        %swap3A_317 = vector.shape_cast %swap3A_316 : vector<1x16xi32> to vector<16xi32>
        %swap3A_318 = vector.shape_cast %min3A_312 : vector<16xi32> to vector<1x16xi32>
        tpu.vector_store %arg8[%swap3A_314, %swap3A_315], %swap3A_318 {strides = array<i32>} : memref<5x128xi32, #tpu.memory_space<vmem>>, vector<1x16xi32>,
        %get3A_319 = arith.index_cast %add3A_223 : i32 to index
        %get3A_320 = arith.constant 96 : index
        %get3A_321 = tpu.vector_load %arg7[%get3A_319, %get3A_320] {strides = array<i32>} : memref<80x128xi32, #tpu.memory_space<vmem>>, vector<1x16xi32>,
        %get3A_322 = vector.shape_cast %get3A_321 : vector<1x16xi32> to vector<16xi32>
        %min3A_323 = arith.constant 1024 : i32
        %min3A_324 = vector.broadcast %min3A_323 : i32 to vector<16xi32>
        %min3A_325 = arith.minsi %get3A_322, %min3A_324 : vector<16xi32>
        %swap3A_326 = arith.constant 2 : i32
        %swap3A_327 = arith.index_cast %swap3A_326 : i32 to index
        %swap3A_328 = arith.constant 96 : index
        %swap3A_329 = tpu.vector_load %arg8[%swap3A_327, %swap3A_328] {strides = array<i32>} : memref<5x128xi32, #tpu.memory_space<vmem>>, vector<1x16xi32>,
        %swap3A_330 = vector.shape_cast %swap3A_329 : vector<1x16xi32> to vector<16xi32>
        %swap3A_331 = vector.shape_cast %min3A_325 : vector<16xi32> to vector<1x16xi32>
        tpu.vector_store %arg8[%swap3A_327, %swap3A_328], %swap3A_331 {strides = array<i32>} : memref<5x128xi32, #tpu.memory_space<vmem>>, vector<1x16xi32>,
        %get3A_332 = arith.index_cast %add3A_223 : i32 to index
        %get3A_333 = arith.constant 112 : index
        %get3A_334 = tpu.vector_load %arg7[%get3A_332, %get3A_333] {strides = array<i32>} : memref<80x128xi32, #tpu.memory_space<vmem>>, vector<1x16xi32>,
        %get3A_335 = vector.shape_cast %get3A_334 : vector<1x16xi32> to vector<16xi32>
        %min3A_336 = arith.constant 1024 : i32
        %min3A_337 = vector.broadcast %min3A_336 : i32 to vector<16xi32>
        %min3A_338 = arith.minsi %get3A_335, %min3A_337 : vector<16xi32>
        %swap3A_339 = arith.constant 2 : i32
        %swap3A_340 = arith.index_cast %swap3A_339 : i32 to index
        %swap3A_341 = arith.constant 112 : index
        %swap3A_342 = tpu.vector_load %arg8[%swap3A_340, %swap3A_341] {strides = array<i32>} : memref<5x128xi32, #tpu.memory_space<vmem>>, vector<1x16xi32>,
        %swap3A_343 = vector.shape_cast %swap3A_342 : vector<1x16xi32> to vector<16xi32>
        %swap3A_344 = vector.shape_cast %min3A_338 : vector<16xi32> to vector<1x16xi32>
        tpu.vector_store %arg8[%swap3A_340, %swap3A_341], %swap3A_344 {strides = array<i32>} : memref<5x128xi32, #tpu.memory_space<vmem>>, vector<1x16xi32>,
        %dma_start3A_345 = arith.constant 2 : i32
        %dma_start3A_346 = arith.constant 2 : i32
        %dma_start3A_347 = arith.constant 0 : i32
        %dma_start3A_348 = arith.constant 0 : i32
        %dma_start3A_349 = tpu.memref_slice %arg9[%dma_start3A_345, %dma_start3A_347, %dma_start3A_348] : memref<5x128x128xf32, #tpu.memory_space<vmem>> -> memref<1x128x128xf32, #tpu.memory_space<vmem>>
        %dma_start3A_350 = tpu.memref_squeeze %dma_start3A_349 : memref<1x128x128xf32, #tpu.memory_space<vmem>> -> memref<128x128xf32, #tpu.memory_space<vmem>>
        %dma_start3A_351 = arith.constant 0 : i32
        %dma_start3A_352 = tpu.memref_slice %arg8[%dma_start3A_346, %dma_start3A_351] : memref<5x128xi32, #tpu.memory_space<vmem>> -> memref<1x128xi32, #tpu.memory_space<vmem>>
        %dma_start3A_353 = tpu.memref_squeeze %dma_start3A_352 : memref<1x128xi32, #tpu.memory_space<vmem>> -> memref<128xi32, #tpu.memory_space<vmem>>
        %dma_start3A_354 = arith.constant 0 : i32
        %dma_start3A_355 = arith.constant 0 : i32
        %dma_start3A_356 = tpu.memref_slice %arg11[%dma_start3A_354, %dma_start3A_355] : memref<1152x128xf32, #tpu.memory_space<vmem_shared>> -> memref<1152x128xf32, #tpu.memory_space<vmem_shared>>
        tpu.enqueue_indirect_dma source(%dma_start3A_350 : memref<128x128xf32, #tpu.memory_space<vmem>>) target(%dma_start3A_356 : memref<1152x128xf32, #tpu.memory_space<vmem_shared>>) offsets(%dma_start3A_353 : memref<128xi32, #tpu.memory_space<vmem>>) semaphore(%arg14 : memref<!tpu.dma_semaphore, #tpu.memory_space<semaphore_mem>>) {add = true}
        %dma_start3A_357 = arith.constant 2 : i32
        %dma_start3A_358 = arith.constant 0 : i32
        %dma_start3A_359 = tpu.memref_slice %arg8[%dma_start3A_357, %dma_start3A_358] : memref<5x128xi32, #tpu.memory_space<vmem>> -> memref<1x128xi32, #tpu.memory_space<vmem>>
        %dma_start3A_360 = tpu.memref_squeeze %dma_start3A_359 : memref<1x128xi32, #tpu.memory_space<vmem>> -> memref<128xi32, #tpu.memory_space<vmem>>
        %dma_start3A_361 = arith.constant 0 : i32
        %dma_start3A_362 = arith.constant 0 : i32
        %dma_start3A_363 = tpu.memref_slice %arg12[%dma_start3A_361, %dma_start3A_362] : memref<1152x128xf32, #tpu.memory_space<vmem_shared>> -> memref<1152x128xf32, #tpu.memory_space<vmem_shared>>
        tpu.enqueue_indirect_dma source(%arg10 : memref<128x128xf32, #tpu.memory_space<vmem>>) target(%dma_start3A_363 : memref<1152x128xf32, #tpu.memory_space<vmem_shared>>) offsets(%dma_start3A_360 : memref<128xi32, #tpu.memory_space<vmem>>) semaphore(%arg15 : memref<!tpu.dma_semaphore, #tpu.memory_space<semaphore_mem>>) {add = true}
      } else {
      }
      %add3A_180 = arith.constant 3 : i32
      %add3A_181 = arith.addi %mul3A_134, %add3A_180 : i32
      %lt3A_182 = arith.cmpi slt, %add3A_181, %scan3A_104 : i32
      %convert_element_type3A_183 = arith.extui %lt3A_182 : i1 to i32
      %cond3A_184 = arith.constant 0 : i32
      %cond3A_185 = arith.cmpi ne, %convert_element_type3A_183, %cond3A_184 : i32
      scf.if %cond3A_185 {
        %add3A_222 = arith.constant 3 : i32
        %add3A_223 = arith.addi %mul3A_134, %add3A_222 : i32
        %mul3A_224 = arith.constant 32 : i32
        %mul3A_225 = arith.muli %mul3A_224, %add3A_223 : i32
        %add3A_226 = arith.addi %add3A, %mul3A_225 : i32
        %mul3A_227 = arith.constant 128 : i32
        %mul3A_228 = arith.muli %add3A_226, %mul3A_227 : i32
        %dma_wait3A_229 = arith.constant 3 : i32
        %dma_wait3A_230 = arith.constant 0 : i32
        %dma_wait3A_231 = arith.constant 0 : i32
        %dma_wait3A_232 = tpu.memref_slice %arg9[%dma_wait3A_229, %dma_wait3A_230, %dma_wait3A_231] : memref<5x128x128xf32, #tpu.memory_space<vmem>> -> memref<1x128x128xf32, #tpu.memory_space<vmem>>
        %dma_wait3A_233 = tpu.memref_squeeze %dma_wait3A_232 : memref<1x128x128xf32, #tpu.memory_space<vmem>> -> memref<128x128xf32, #tpu.memory_space<vmem>>
        %dma_wait3A_234 = arith.constant 0 : i32
        %dma_wait3A_235 = tpu.memref_slice %arg2[%mul3A_228, %dma_wait3A_234] : memref<320000x128xf32, #tpu.memory_space<hbm>> -> memref<128x128xf32, #tpu.memory_space<hbm>>
        %dma_wait3A_236 = arith.constant 0 : i32
        %dma_wait3A_237 = arith.constant 0 : i32
        %dma_wait3A_238 = tpu.memref_slice %arg9[%dma_wait3A_229, %dma_wait3A_236, %dma_wait3A_237] : memref<5x128x128xf32, #tpu.memory_space<vmem>> -> memref<1x128x128xf32, #tpu.memory_space<vmem>>
        %dma_wait3A_239 = tpu.memref_squeeze %dma_wait3A_238 : memref<1x128x128xf32, #tpu.memory_space<vmem>> -> memref<128x128xf32, #tpu.memory_space<vmem>>
        %dma_wait3A_240 = arith.constant 0 : i32
        %dma_wait3A_241 = tpu.memref_slice %arg2[%mul3A_228, %dma_wait3A_240] : memref<320000x128xf32, #tpu.memory_space<hbm>> -> memref<128x128xf32, #tpu.memory_space<hbm>>
        tpu.wait_dma2 semaphore(%arg13 : memref<!tpu.dma_semaphore, #tpu.memory_space<semaphore_mem>>) src(%dma_wait3A_241 : memref<128x128xf32, #tpu.memory_space<hbm>>) dst(%dma_wait3A_239 : memref<128x128xf32, #tpu.memory_space<vmem>>)
        %get3A = arith.index_cast %add3A_223 : i32 to index
        %get3A_242 = arith.constant 0 : index
        %get3A_243 = tpu.vector_load %arg7[%get3A, %get3A_242] {strides = array<i32>} : memref<80x128xi32, #tpu.memory_space<vmem>>, vector<1x16xi32>,
        %get3A_244 = vector.shape_cast %get3A_243 : vector<1x16xi32> to vector<16xi32>
        %min3A_245 = arith.constant 1024 : i32
        %min3A_246 = vector.broadcast %min3A_245 : i32 to vector<16xi32>
        %min3A_247 = arith.minsi %get3A_244, %min3A_246 : vector<16xi32>
        %swap3A_248 = arith.constant 3 : i32
        %swap3A_249 = arith.index_cast %swap3A_248 : i32 to index
        %swap3A_250 = arith.constant 0 : index
        %swap3A_251 = tpu.vector_load %arg8[%swap3A_249, %swap3A_250] {strides = array<i32>} : memref<5x128xi32, #tpu.memory_space<vmem>>, vector<1x16xi32>,
        %swap3A_252 = vector.shape_cast %swap3A_251 : vector<1x16xi32> to vector<16xi32>
        %swap3A_253 = vector.shape_cast %min3A_247 : vector<16xi32> to vector<1x16xi32>
        tpu.vector_store %arg8[%swap3A_249, %swap3A_250], %swap3A_253 {strides = array<i32>} : memref<5x128xi32, #tpu.memory_space<vmem>>, vector<1x16xi32>,
        %get3A_254 = arith.index_cast %add3A_223 : i32 to index
        %get3A_255 = arith.constant 16 : index
        %get3A_256 = tpu.vector_load %arg7[%get3A_254, %get3A_255] {strides = array<i32>} : memref<80x128xi32, #tpu.memory_space<vmem>>, vector<1x16xi32>,
        %get3A_257 = vector.shape_cast %get3A_256 : vector<1x16xi32> to vector<16xi32>
        %min3A_258 = arith.constant 1024 : i32
        %min3A_259 = vector.broadcast %min3A_258 : i32 to vector<16xi32>
        %min3A_260 = arith.minsi %get3A_257, %min3A_259 : vector<16xi32>
        %swap3A_261 = arith.constant 3 : i32
        %swap3A_262 = arith.index_cast %swap3A_261 : i32 to index
        %swap3A_263 = arith.constant 16 : index
        %swap3A_264 = tpu.vector_load %arg8[%swap3A_262, %swap3A_263] {strides = array<i32>} : memref<5x128xi32, #tpu.memory_space<vmem>>, vector<1x16xi32>,
        %swap3A_265 = vector.shape_cast %swap3A_264 : vector<1x16xi32> to vector<16xi32>
        %swap3A_266 = vector.shape_cast %min3A_260 : vector<16xi32> to vector<1x16xi32>
        tpu.vector_store %arg8[%swap3A_262, %swap3A_263], %swap3A_266 {strides = array<i32>} : memref<5x128xi32, #tpu.memory_space<vmem>>, vector<1x16xi32>,
        %get3A_267 = arith.index_cast %add3A_223 : i32 to index
        %get3A_268 = arith.constant 32 : index
        %get3A_269 = tpu.vector_load %arg7[%get3A_267, %get3A_268] {strides = array<i32>} : memref<80x128xi32, #tpu.memory_space<vmem>>, vector<1x16xi32>,
        %get3A_270 = vector.shape_cast %get3A_269 : vector<1x16xi32> to vector<16xi32>
        %min3A_271 = arith.constant 1024 : i32
        %min3A_272 = vector.broadcast %min3A_271 : i32 to vector<16xi32>
        %min3A_273 = arith.minsi %get3A_270, %min3A_272 : vector<16xi32>
        %swap3A_274 = arith.constant 3 : i32
        %swap3A_275 = arith.index_cast %swap3A_274 : i32 to index
        %swap3A_276 = arith.constant 32 : index
        %swap3A_277 = tpu.vector_load %arg8[%swap3A_275, %swap3A_276] {strides = array<i32>} : memref<5x128xi32, #tpu.memory_space<vmem>>, vector<1x16xi32>,
        %swap3A_278 = vector.shape_cast %swap3A_277 : vector<1x16xi32> to vector<16xi32>
        %swap3A_279 = vector.shape_cast %min3A_273 : vector<16xi32> to vector<1x16xi32>
        tpu.vector_store %arg8[%swap3A_275, %swap3A_276], %swap3A_279 {strides = array<i32>} : memref<5x128xi32, #tpu.memory_space<vmem>>, vector<1x16xi32>,
        %get3A_280 = arith.index_cast %add3A_223 : i32 to index
        %get3A_281 = arith.constant 48 : index
        %get3A_282 = tpu.vector_load %arg7[%get3A_280, %get3A_281] {strides = array<i32>} : memref<80x128xi32, #tpu.memory_space<vmem>>, vector<1x16xi32>,
        %get3A_283 = vector.shape_cast %get3A_282 : vector<1x16xi32> to vector<16xi32>
        %min3A_284 = arith.constant 1024 : i32
        %min3A_285 = vector.broadcast %min3A_284 : i32 to vector<16xi32>
        %min3A_286 = arith.minsi %get3A_283, %min3A_285 : vector<16xi32>
        %swap3A_287 = arith.constant 3 : i32
        %swap3A_288 = arith.index_cast %swap3A_287 : i32 to index
        %swap3A_289 = arith.constant 48 : index
        %swap3A_290 = tpu.vector_load %arg8[%swap3A_288, %swap3A_289] {strides = array<i32>} : memref<5x128xi32, #tpu.memory_space<vmem>>, vector<1x16xi32>,
        %swap3A_291 = vector.shape_cast %swap3A_290 : vector<1x16xi32> to vector<16xi32>
        %swap3A_292 = vector.shape_cast %min3A_286 : vector<16xi32> to vector<1x16xi32>
        tpu.vector_store %arg8[%swap3A_288, %swap3A_289], %swap3A_292 {strides = array<i32>} : memref<5x128xi32, #tpu.memory_space<vmem>>, vector<1x16xi32>,
        %get3A_293 = arith.index_cast %add3A_223 : i32 to index
        %get3A_294 = arith.constant 64 : index
        %get3A_295 = tpu.vector_load %arg7[%get3A_293, %get3A_294] {strides = array<i32>} : memref<80x128xi32, #tpu.memory_space<vmem>>, vector<1x16xi32>,
        %get3A_296 = vector.shape_cast %get3A_295 : vector<1x16xi32> to vector<16xi32>
        %min3A_297 = arith.constant 1024 : i32
        %min3A_298 = vector.broadcast %min3A_297 : i32 to vector<16xi32>
        %min3A_299 = arith.minsi %get3A_296, %min3A_298 : vector<16xi32>
        %swap3A_300 = arith.constant 3 : i32
        %swap3A_301 = arith.index_cast %swap3A_300 : i32 to index
        %swap3A_302 = arith.constant 64 : index
        %swap3A_303 = tpu.vector_load %arg8[%swap3A_301, %swap3A_302] {strides = array<i32>} : memref<5x128xi32, #tpu.memory_space<vmem>>, vector<1x16xi32>,
        %swap3A_304 = vector.shape_cast %swap3A_303 : vector<1x16xi32> to vector<16xi32>
        %swap3A_305 = vector.shape_cast %min3A_299 : vector<16xi32> to vector<1x16xi32>
        tpu.vector_store %arg8[%swap3A_301, %swap3A_302], %swap3A_305 {strides = array<i32>} : memref<5x128xi32, #tpu.memory_space<vmem>>, vector<1x16xi32>,
        %get3A_306 = arith.index_cast %add3A_223 : i32 to index
        %get3A_307 = arith.constant 80 : index
        %get3A_308 = tpu.vector_load %arg7[%get3A_306, %get3A_307] {strides = array<i32>} : memref<80x128xi32, #tpu.memory_space<vmem>>, vector<1x16xi32>,
        %get3A_309 = vector.shape_cast %get3A_308 : vector<1x16xi32> to vector<16xi32>
        %min3A_310 = arith.constant 1024 : i32
        %min3A_311 = vector.broadcast %min3A_310 : i32 to vector<16xi32>
        %min3A_312 = arith.minsi %get3A_309, %min3A_311 : vector<16xi32>
        %swap3A_313 = arith.constant 3 : i32
        %swap3A_314 = arith.index_cast %swap3A_313 : i32 to index
        %swap3A_315 = arith.constant 80 : index
        %swap3A_316 = tpu.vector_load %arg8[%swap3A_314, %swap3A_315] {strides = array<i32>} : memref<5x128xi32, #tpu.memory_space<vmem>>, vector<1x16xi32>,
        %swap3A_317 = vector.shape_cast %swap3A_316 : vector<1x16xi32> to vector<16xi32>
        %swap3A_318 = vector.shape_cast %min3A_312 : vector<16xi32> to vector<1x16xi32>
        tpu.vector_store %arg8[%swap3A_314, %swap3A_315], %swap3A_318 {strides = array<i32>} : memref<5x128xi32, #tpu.memory_space<vmem>>, vector<1x16xi32>,
        %get3A_319 = arith.index_cast %add3A_223 : i32 to index
        %get3A_320 = arith.constant 96 : index
        %get3A_321 = tpu.vector_load %arg7[%get3A_319, %get3A_320] {strides = array<i32>} : memref<80x128xi32, #tpu.memory_space<vmem>>, vector<1x16xi32>,
        %get3A_322 = vector.shape_cast %get3A_321 : vector<1x16xi32> to vector<16xi32>
        %min3A_323 = arith.constant 1024 : i32
        %min3A_324 = vector.broadcast %min3A_323 : i32 to vector<16xi32>
        %min3A_325 = arith.minsi %get3A_322, %min3A_324 : vector<16xi32>
        %swap3A_326 = arith.constant 3 : i32
        %swap3A_327 = arith.index_cast %swap3A_326 : i32 to index
        %swap3A_328 = arith.constant 96 : index
        %swap3A_329 = tpu.vector_load %arg8[%swap3A_327, %swap3A_328] {strides = array<i32>} : memref<5x128xi32, #tpu.memory_space<vmem>>, vector<1x16xi32>,
        %swap3A_330 = vector.shape_cast %swap3A_329 : vector<1x16xi32> to vector<16xi32>
        %swap3A_331 = vector.shape_cast %min3A_325 : vector<16xi32> to vector<1x16xi32>
        tpu.vector_store %arg8[%swap3A_327, %swap3A_328], %swap3A_331 {strides = array<i32>} : memref<5x128xi32, #tpu.memory_space<vmem>>, vector<1x16xi32>,
        %get3A_332 = arith.index_cast %add3A_223 : i32 to index
        %get3A_333 = arith.constant 112 : index
        %get3A_334 = tpu.vector_load %arg7[%get3A_332, %get3A_333] {strides = array<i32>} : memref<80x128xi32, #tpu.memory_space<vmem>>, vector<1x16xi32>,
        %get3A_335 = vector.shape_cast %get3A_334 : vector<1x16xi32> to vector<16xi32>
        %min3A_336 = arith.constant 1024 : i32
        %min3A_337 = vector.broadcast %min3A_336 : i32 to vector<16xi32>
        %min3A_338 = arith.minsi %get3A_335, %min3A_337 : vector<16xi32>
        %swap3A_339 = arith.constant 3 : i32
        %swap3A_340 = arith.index_cast %swap3A_339 : i32 to index
        %swap3A_341 = arith.constant 112 : index
        %swap3A_342 = tpu.vector_load %arg8[%swap3A_340, %swap3A_341] {strides = array<i32>} : memref<5x128xi32, #tpu.memory_space<vmem>>, vector<1x16xi32>,
        %swap3A_343 = vector.shape_cast %swap3A_342 : vector<1x16xi32> to vector<16xi32>
        %swap3A_344 = vector.shape_cast %min3A_338 : vector<16xi32> to vector<1x16xi32>
        tpu.vector_store %arg8[%swap3A_340, %swap3A_341], %swap3A_344 {strides = array<i32>} : memref<5x128xi32, #tpu.memory_space<vmem>>, vector<1x16xi32>,
        %dma_start3A_345 = arith.constant 3 : i32
        %dma_start3A_346 = arith.constant 3 : i32
        %dma_start3A_347 = arith.constant 0 : i32
        %dma_start3A_348 = arith.constant 0 : i32
        %dma_start3A_349 = tpu.memref_slice %arg9[%dma_start3A_345, %dma_start3A_347, %dma_start3A_348] : memref<5x128x128xf32, #tpu.memory_space<vmem>> -> memref<1x128x128xf32, #tpu.memory_space<vmem>>
        %dma_start3A_350 = tpu.memref_squeeze %dma_start3A_349 : memref<1x128x128xf32, #tpu.memory_space<vmem>> -> memref<128x128xf32, #tpu.memory_space<vmem>>
        %dma_start3A_351 = arith.constant 0 : i32
        %dma_start3A_352 = tpu.memref_slice %arg8[%dma_start3A_346, %dma_start3A_351] : memref<5x128xi32, #tpu.memory_space<vmem>> -> memref<1x128xi32, #tpu.memory_space<vmem>>
        %dma_start3A_353 = tpu.memref_squeeze %dma_start3A_352 : memref<1x128xi32, #tpu.memory_space<vmem>> -> memref<128xi32, #tpu.memory_space<vmem>>
        %dma_start3A_354 = arith.constant 0 : i32
        %dma_start3A_355 = arith.constant 0 : i32
        %dma_start3A_356 = tpu.memref_slice %arg11[%dma_start3A_354, %dma_start3A_355] : memref<1152x128xf32, #tpu.memory_space<vmem_shared>> -> memref<1152x128xf32, #tpu.memory_space<vmem_shared>>
        tpu.enqueue_indirect_dma source(%dma_start3A_350 : memref<128x128xf32, #tpu.memory_space<vmem>>) target(%dma_start3A_356 : memref<1152x128xf32, #tpu.memory_space<vmem_shared>>) offsets(%dma_start3A_353 : memref<128xi32, #tpu.memory_space<vmem>>) semaphore(%arg14 : memref<!tpu.dma_semaphore, #tpu.memory_space<semaphore_mem>>) {add = true}
        %dma_start3A_357 = arith.constant 3 : i32
        %dma_start3A_358 = arith.constant 0 : i32
        %dma_start3A_359 = tpu.memref_slice %arg8[%dma_start3A_357, %dma_start3A_358] : memref<5x128xi32, #tpu.memory_space<vmem>> -> memref<1x128xi32, #tpu.memory_space<vmem>>
        %dma_start3A_360 = tpu.memref_squeeze %dma_start3A_359 : memref<1x128xi32, #tpu.memory_space<vmem>> -> memref<128xi32, #tpu.memory_space<vmem>>
        %dma_start3A_361 = arith.constant 0 : i32
        %dma_start3A_362 = arith.constant 0 : i32
        %dma_start3A_363 = tpu.memref_slice %arg12[%dma_start3A_361, %dma_start3A_362] : memref<1152x128xf32, #tpu.memory_space<vmem_shared>> -> memref<1152x128xf32, #tpu.memory_space<vmem_shared>>
        tpu.enqueue_indirect_dma source(%arg10 : memref<128x128xf32, #tpu.memory_space<vmem>>) target(%dma_start3A_363 : memref<1152x128xf32, #tpu.memory_space<vmem_shared>>) offsets(%dma_start3A_360 : memref<128xi32, #tpu.memory_space<vmem>>) semaphore(%arg15 : memref<!tpu.dma_semaphore, #tpu.memory_space<semaphore_mem>>) {add = true}
      } else {
      }
      %add3A_186 = arith.constant 4 : i32
      %add3A_187 = arith.addi %mul3A_134, %add3A_186 : i32
      %lt3A_188 = arith.cmpi slt, %add3A_187, %scan3A_104 : i32
      %convert_element_type3A_189 = arith.extui %lt3A_188 : i1 to i32
      %cond3A_190 = arith.constant 0 : i32
      %cond3A_191 = arith.cmpi ne, %convert_element_type3A_189, %cond3A_190 : i32
      scf.if %cond3A_191 {
        %add3A_222 = arith.constant 4 : i32
        %add3A_223 = arith.addi %mul3A_134, %add3A_222 : i32
        %mul3A_224 = arith.constant 32 : i32
        %mul3A_225 = arith.muli %mul3A_224, %add3A_223 : i32
        %add3A_226 = arith.addi %add3A, %mul3A_225 : i32
        %mul3A_227 = arith.constant 128 : i32
        %mul3A_228 = arith.muli %add3A_226, %mul3A_227 : i32
        %dma_wait3A_229 = arith.constant 4 : i32
        %dma_wait3A_230 = arith.constant 0 : i32
        %dma_wait3A_231 = arith.constant 0 : i32
        %dma_wait3A_232 = tpu.memref_slice %arg9[%dma_wait3A_229, %dma_wait3A_230, %dma_wait3A_231] : memref<5x128x128xf32, #tpu.memory_space<vmem>> -> memref<1x128x128xf32, #tpu.memory_space<vmem>>
        %dma_wait3A_233 = tpu.memref_squeeze %dma_wait3A_232 : memref<1x128x128xf32, #tpu.memory_space<vmem>> -> memref<128x128xf32, #tpu.memory_space<vmem>>
        %dma_wait3A_234 = arith.constant 0 : i32
        %dma_wait3A_235 = tpu.memref_slice %arg2[%mul3A_228, %dma_wait3A_234] : memref<320000x128xf32, #tpu.memory_space<hbm>> -> memref<128x128xf32, #tpu.memory_space<hbm>>
        %dma_wait3A_236 = arith.constant 0 : i32
        %dma_wait3A_237 = arith.constant 0 : i32
        %dma_wait3A_238 = tpu.memref_slice %arg9[%dma_wait3A_229, %dma_wait3A_236, %dma_wait3A_237] : memref<5x128x128xf32, #tpu.memory_space<vmem>> -> memref<1x128x128xf32, #tpu.memory_space<vmem>>
        %dma_wait3A_239 = tpu.memref_squeeze %dma_wait3A_238 : memref<1x128x128xf32, #tpu.memory_space<vmem>> -> memref<128x128xf32, #tpu.memory_space<vmem>>
        %dma_wait3A_240 = arith.constant 0 : i32
        %dma_wait3A_241 = tpu.memref_slice %arg2[%mul3A_228, %dma_wait3A_240] : memref<320000x128xf32, #tpu.memory_space<hbm>> -> memref<128x128xf32, #tpu.memory_space<hbm>>
        tpu.wait_dma2 semaphore(%arg13 : memref<!tpu.dma_semaphore, #tpu.memory_space<semaphore_mem>>) src(%dma_wait3A_241 : memref<128x128xf32, #tpu.memory_space<hbm>>) dst(%dma_wait3A_239 : memref<128x128xf32, #tpu.memory_space<vmem>>)
        %get3A = arith.index_cast %add3A_223 : i32 to index
        %get3A_242 = arith.constant 0 : index
        %get3A_243 = tpu.vector_load %arg7[%get3A, %get3A_242] {strides = array<i32>} : memref<80x128xi32, #tpu.memory_space<vmem>>, vector<1x16xi32>,
        %get3A_244 = vector.shape_cast %get3A_243 : vector<1x16xi32> to vector<16xi32>
        %min3A_245 = arith.constant 1024 : i32
        %min3A_246 = vector.broadcast %min3A_245 : i32 to vector<16xi32>
        %min3A_247 = arith.minsi %get3A_244, %min3A_246 : vector<16xi32>
        %swap3A_248 = arith.constant 4 : i32
        %swap3A_249 = arith.index_cast %swap3A_248 : i32 to index
        %swap3A_250 = arith.constant 0 : index
        %swap3A_251 = tpu.vector_load %arg8[%swap3A_249, %swap3A_250] {strides = array<i32>} : memref<5x128xi32, #tpu.memory_space<vmem>>, vector<1x16xi32>,
        %swap3A_252 = vector.shape_cast %swap3A_251 : vector<1x16xi32> to vector<16xi32>
        %swap3A_253 = vector.shape_cast %min3A_247 : vector<16xi32> to vector<1x16xi32>
        tpu.vector_store %arg8[%swap3A_249, %swap3A_250], %swap3A_253 {strides = array<i32>} : memref<5x128xi32, #tpu.memory_space<vmem>>, vector<1x16xi32>,
        %get3A_254 = arith.index_cast %add3A_223 : i32 to index
        %get3A_255 = arith.constant 16 : index
        %get3A_256 = tpu.vector_load %arg7[%get3A_254, %get3A_255] {strides = array<i32>} : memref<80x128xi32, #tpu.memory_space<vmem>>, vector<1x16xi32>,
        %get3A_257 = vector.shape_cast %get3A_256 : vector<1x16xi32> to vector<16xi32>
        %min3A_258 = arith.constant 1024 : i32
        %min3A_259 = vector.broadcast %min3A_258 : i32 to vector<16xi32>
        %min3A_260 = arith.minsi %get3A_257, %min3A_259 : vector<16xi32>
        %swap3A_261 = arith.constant 4 : i32
        %swap3A_262 = arith.index_cast %swap3A_261 : i32 to index
        %swap3A_263 = arith.constant 16 : index
        %swap3A_264 = tpu.vector_load %arg8[%swap3A_262, %swap3A_263] {strides = array<i32>} : memref<5x128xi32, #tpu.memory_space<vmem>>, vector<1x16xi32>,
        %swap3A_265 = vector.shape_cast %swap3A_264 : vector<1x16xi32> to vector<16xi32>
        %swap3A_266 = vector.shape_cast %min3A_260 : vector<16xi32> to vector<1x16xi32>
        tpu.vector_store %arg8[%swap3A_262, %swap3A_263], %swap3A_266 {strides = array<i32>} : memref<5x128xi32, #tpu.memory_space<vmem>>, vector<1x16xi32>,
        %get3A_267 = arith.index_cast %add3A_223 : i32 to index
        %get3A_268 = arith.constant 32 : index
        %get3A_269 = tpu.vector_load %arg7[%get3A_267, %get3A_268] {strides = array<i32>} : memref<80x128xi32, #tpu.memory_space<vmem>>, vector<1x16xi32>,
        %get3A_270 = vector.shape_cast %get3A_269 : vector<1x16xi32> to vector<16xi32>
        %min3A_271 = arith.constant 1024 : i32
        %min3A_272 = vector.broadcast %min3A_271 : i32 to vector<16xi32>
        %min3A_273 = arith.minsi %get3A_270, %min3A_272 : vector<16xi32>
        %swap3A_274 = arith.constant 4 : i32
        %swap3A_275 = arith.index_cast %swap3A_274 : i32 to index
        %swap3A_276 = arith.constant 32 : index
        %swap3A_277 = tpu.vector_load %arg8[%swap3A_275, %swap3A_276] {strides = array<i32>} : memref<5x128xi32, #tpu.memory_space<vmem>>, vector<1x16xi32>,
        %swap3A_278 = vector.shape_cast %swap3A_277 : vector<1x16xi32> to vector<16xi32>
        %swap3A_279 = vector.shape_cast %min3A_273 : vector<16xi32> to vector<1x16xi32>
        tpu.vector_store %arg8[%swap3A_275, %swap3A_276], %swap3A_279 {strides = array<i32>} : memref<5x128xi32, #tpu.memory_space<vmem>>, vector<1x16xi32>,
        %get3A_280 = arith.index_cast %add3A_223 : i32 to index
        %get3A_281 = arith.constant 48 : index
        %get3A_282 = tpu.vector_load %arg7[%get3A_280, %get3A_281] {strides = array<i32>} : memref<80x128xi32, #tpu.memory_space<vmem>>, vector<1x16xi32>,
        %get3A_283 = vector.shape_cast %get3A_282 : vector<1x16xi32> to vector<16xi32>
        %min3A_284 = arith.constant 1024 : i32
        %min3A_285 = vector.broadcast %min3A_284 : i32 to vector<16xi32>
        %min3A_286 = arith.minsi %get3A_283, %min3A_285 : vector<16xi32>
        %swap3A_287 = arith.constant 4 : i32
        %swap3A_288 = arith.index_cast %swap3A_287 : i32 to index
        %swap3A_289 = arith.constant 48 : index
        %swap3A_290 = tpu.vector_load %arg8[%swap3A_288, %swap3A_289] {strides = array<i32>} : memref<5x128xi32, #tpu.memory_space<vmem>>, vector<1x16xi32>,
        %swap3A_291 = vector.shape_cast %swap3A_290 : vector<1x16xi32> to vector<16xi32>
        %swap3A_292 = vector.shape_cast %min3A_286 : vector<16xi32> to vector<1x16xi32>
        tpu.vector_store %arg8[%swap3A_288, %swap3A_289], %swap3A_292 {strides = array<i32>} : memref<5x128xi32, #tpu.memory_space<vmem>>, vector<1x16xi32>,
        %get3A_293 = arith.index_cast %add3A_223 : i32 to index
        %get3A_294 = arith.constant 64 : index
        %get3A_295 = tpu.vector_load %arg7[%get3A_293, %get3A_294] {strides = array<i32>} : memref<80x128xi32, #tpu.memory_space<vmem>>, vector<1x16xi32>,
        %get3A_296 = vector.shape_cast %get3A_295 : vector<1x16xi32> to vector<16xi32>
        %min3A_297 = arith.constant 1024 : i32
        %min3A_298 = vector.broadcast %min3A_297 : i32 to vector<16xi32>
        %min3A_299 = arith.minsi %get3A_296, %min3A_298 : vector<16xi32>
        %swap3A_300 = arith.constant 4 : i32
        %swap3A_301 = arith.index_cast %swap3A_300 : i32 to index
        %swap3A_302 = arith.constant 64 : index
        %swap3A_303 = tpu.vector_load %arg8[%swap3A_301, %swap3A_302] {strides = array<i32>} : memref<5x128xi32, #tpu.memory_space<vmem>>, vector<1x16xi32>,
        %swap3A_304 = vector.shape_cast %swap3A_303 : vector<1x16xi32> to vector<16xi32>
        %swap3A_305 = vector.shape_cast %min3A_299 : vector<16xi32> to vector<1x16xi32>
        tpu.vector_store %arg8[%swap3A_301, %swap3A_302], %swap3A_305 {strides = array<i32>} : memref<5x128xi32, #tpu.memory_space<vmem>>, vector<1x16xi32>,
        %get3A_306 = arith.index_cast %add3A_223 : i32 to index
        %get3A_307 = arith.constant 80 : index
        %get3A_308 = tpu.vector_load %arg7[%get3A_306, %get3A_307] {strides = array<i32>} : memref<80x128xi32, #tpu.memory_space<vmem>>, vector<1x16xi32>,
        %get3A_309 = vector.shape_cast %get3A_308 : vector<1x16xi32> to vector<16xi32>
        %min3A_310 = arith.constant 1024 : i32
        %min3A_311 = vector.broadcast %min3A_310 : i32 to vector<16xi32>
        %min3A_312 = arith.minsi %get3A_309, %min3A_311 : vector<16xi32>
        %swap3A_313 = arith.constant 4 : i32
        %swap3A_314 = arith.index_cast %swap3A_313 : i32 to index
        %swap3A_315 = arith.constant 80 : index
        %swap3A_316 = tpu.vector_load %arg8[%swap3A_314, %swap3A_315] {strides = array<i32>} : memref<5x128xi32, #tpu.memory_space<vmem>>, vector<1x16xi32>,
        %swap3A_317 = vector.shape_cast %swap3A_316 : vector<1x16xi32> to vector<16xi32>
        %swap3A_318 = vector.shape_cast %min3A_312 : vector<16xi32> to vector<1x16xi32>
        tpu.vector_store %arg8[%swap3A_314, %swap3A_315], %swap3A_318 {strides = array<i32>} : memref<5x128xi32, #tpu.memory_space<vmem>>, vector<1x16xi32>,
        %get3A_319 = arith.index_cast %add3A_223 : i32 to index
        %get3A_320 = arith.constant 96 : index
        %get3A_321 = tpu.vector_load %arg7[%get3A_319, %get3A_320] {strides = array<i32>} : memref<80x128xi32, #tpu.memory_space<vmem>>, vector<1x16xi32>,
        %get3A_322 = vector.shape_cast %get3A_321 : vector<1x16xi32> to vector<16xi32>
        %min3A_323 = arith.constant 1024 : i32
        %min3A_324 = vector.broadcast %min3A_323 : i32 to vector<16xi32>
        %min3A_325 = arith.minsi %get3A_322, %min3A_324 : vector<16xi32>
        %swap3A_326 = arith.constant 4 : i32
        %swap3A_327 = arith.index_cast %swap3A_326 : i32 to index
        %swap3A_328 = arith.constant 96 : index
        %swap3A_329 = tpu.vector_load %arg8[%swap3A_327, %swap3A_328] {strides = array<i32>} : memref<5x128xi32, #tpu.memory_space<vmem>>, vector<1x16xi32>,
        %swap3A_330 = vector.shape_cast %swap3A_329 : vector<1x16xi32> to vector<16xi32>
        %swap3A_331 = vector.shape_cast %min3A_325 : vector<16xi32> to vector<1x16xi32>
        tpu.vector_store %arg8[%swap3A_327, %swap3A_328], %swap3A_331 {strides = array<i32>} : memref<5x128xi32, #tpu.memory_space<vmem>>, vector<1x16xi32>,
        %get3A_332 = arith.index_cast %add3A_223 : i32 to index
        %get3A_333 = arith.constant 112 : index
        %get3A_334 = tpu.vector_load %arg7[%get3A_332, %get3A_333] {strides = array<i32>} : memref<80x128xi32, #tpu.memory_space<vmem>>, vector<1x16xi32>,
        %get3A_335 = vector.shape_cast %get3A_334 : vector<1x16xi32> to vector<16xi32>
        %min3A_336 = arith.constant 1024 : i32
        %min3A_337 = vector.broadcast %min3A_336 : i32 to vector<16xi32>
        %min3A_338 = arith.minsi %get3A_335, %min3A_337 : vector<16xi32>
        %swap3A_339 = arith.constant 4 : i32
        %swap3A_340 = arith.index_cast %swap3A_339 : i32 to index
        %swap3A_341 = arith.constant 112 : index
        %swap3A_342 = tpu.vector_load %arg8[%swap3A_340, %swap3A_341] {strides = array<i32>} : memref<5x128xi32, #tpu.memory_space<vmem>>, vector<1x16xi32>,
        %swap3A_343 = vector.shape_cast %swap3A_342 : vector<1x16xi32> to vector<16xi32>
        %swap3A_344 = vector.shape_cast %min3A_338 : vector<16xi32> to vector<1x16xi32>
        tpu.vector_store %arg8[%swap3A_340, %swap3A_341], %swap3A_344 {strides = array<i32>} : memref<5x128xi32, #tpu.memory_space<vmem>>, vector<1x16xi32>,
        %dma_start3A_345 = arith.constant 4 : i32
        %dma_start3A_346 = arith.constant 4 : i32
        %dma_start3A_347 = arith.constant 0 : i32
        %dma_start3A_348 = arith.constant 0 : i32
        %dma_start3A_349 = tpu.memref_slice %arg9[%dma_start3A_345, %dma_start3A_347, %dma_start3A_348] : memref<5x128x128xf32, #tpu.memory_space<vmem>> -> memref<1x128x128xf32, #tpu.memory_space<vmem>>
        %dma_start3A_350 = tpu.memref_squeeze %dma_start3A_349 : memref<1x128x128xf32, #tpu.memory_space<vmem>> -> memref<128x128xf32, #tpu.memory_space<vmem>>
        %dma_start3A_351 = arith.constant 0 : i32
        %dma_start3A_352 = tpu.memref_slice %arg8[%dma_start3A_346, %dma_start3A_351] : memref<5x128xi32, #tpu.memory_space<vmem>> -> memref<1x128xi32, #tpu.memory_space<vmem>>
        %dma_start3A_353 = tpu.memref_squeeze %dma_start3A_352 : memref<1x128xi32, #tpu.memory_space<vmem>> -> memref<128xi32, #tpu.memory_space<vmem>>
        %dma_start3A_354 = arith.constant 0 : i32
        %dma_start3A_355 = arith.constant 0 : i32
        %dma_start3A_356 = tpu.memref_slice %arg11[%dma_start3A_354, %dma_start3A_355] : memref<1152x128xf32, #tpu.memory_space<vmem_shared>> -> memref<1152x128xf32, #tpu.memory_space<vmem_shared>>
        tpu.enqueue_indirect_dma source(%dma_start3A_350 : memref<128x128xf32, #tpu.memory_space<vmem>>) target(%dma_start3A_356 : memref<1152x128xf32, #tpu.memory_space<vmem_shared>>) offsets(%dma_start3A_353 : memref<128xi32, #tpu.memory_space<vmem>>) semaphore(%arg14 : memref<!tpu.dma_semaphore, #tpu.memory_space<semaphore_mem>>) {add = true}
        %dma_start3A_357 = arith.constant 4 : i32
        %dma_start3A_358 = arith.constant 0 : i32
        %dma_start3A_359 = tpu.memref_slice %arg8[%dma_start3A_357, %dma_start3A_358] : memref<5x128xi32, #tpu.memory_space<vmem>> -> memref<1x128xi32, #tpu.memory_space<vmem>>
        %dma_start3A_360 = tpu.memref_squeeze %dma_start3A_359 : memref<1x128xi32, #tpu.memory_space<vmem>> -> memref<128xi32, #tpu.memory_space<vmem>>
        %dma_start3A_361 = arith.constant 0 : i32
        %dma_start3A_362 = arith.constant 0 : i32
        %dma_start3A_363 = tpu.memref_slice %arg12[%dma_start3A_361, %dma_start3A_362] : memref<1152x128xf32, #tpu.memory_space<vmem_shared>> -> memref<1152x128xf32, #tpu.memory_space<vmem_shared>>
        tpu.enqueue_indirect_dma source(%arg10 : memref<128x128xf32, #tpu.memory_space<vmem>>) target(%dma_start3A_363 : memref<1152x128xf32, #tpu.memory_space<vmem_shared>>) offsets(%dma_start3A_360 : memref<128xi32, #tpu.memory_space<vmem>>) semaphore(%arg15 : memref<!tpu.dma_semaphore, #tpu.memory_space<semaphore_mem>>) {add = true}
      } else {
      }
      %add3A_192 = arith.constant 0 : i32
      %add3A_193 = arith.addi %mul3A_134, %add3A_192 : i32
      %lt3A_194 = arith.cmpi slt, %add3A_193, %scan3A_104 : i32
      %convert_element_type3A_195 = arith.extui %lt3A_194 : i1 to i32
      %cond3A_196 = arith.constant 0 : i32
      %cond3A_197 = arith.cmpi ne, %convert_element_type3A_195, %cond3A_196 : i32
      scf.if %cond3A_197 {
        %dma_wait3A_222 = arith.constant 0 : i32
        %dma_wait3A_223 = arith.constant 0 : i32
        %dma_wait3A_224 = arith.constant 0 : i32
        %dma_wait3A_225 = arith.constant 0 : i32
        %dma_wait3A_226 = tpu.memref_slice %arg9[%dma_wait3A_222, %dma_wait3A_224, %dma_wait3A_225] : memref<5x128x128xf32, #tpu.memory_space<vmem>> -> memref<1x128x128xf32, #tpu.memory_space<vmem>>
        %dma_wait3A_227 = tpu.memref_squeeze %dma_wait3A_226 : memref<1x128x128xf32, #tpu.memory_space<vmem>> -> memref<128x128xf32, #tpu.memory_space<vmem>>
        %dma_wait3A_228 = arith.constant 0 : i32
        %dma_wait3A_229 = tpu.memref_slice %arg8[%dma_wait3A_223, %dma_wait3A_228] : memref<5x128xi32, #tpu.memory_space<vmem>> -> memref<1x128xi32, #tpu.memory_space<vmem>>
        %dma_wait3A_230 = tpu.memref_squeeze %dma_wait3A_229 : memref<1x128xi32, #tpu.memory_space<vmem>> -> memref<128xi32, #tpu.memory_space<vmem>>
        %dma_wait3A_231 = arith.constant 0 : i32
        %dma_wait3A_232 = arith.constant 0 : i32
        %dma_wait3A_233 = tpu.memref_slice %arg11[%dma_wait3A_231, %dma_wait3A_232] : memref<1152x128xf32, #tpu.memory_space<vmem_shared>> -> memref<1152x128xf32, #tpu.memory_space<vmem_shared>>
        tpu.wait_indirect_dma semaphore(%arg14 : memref<!tpu.dma_semaphore, #tpu.memory_space<semaphore_mem>>) src(%dma_wait3A_227 : memref<128x128xf32, #tpu.memory_space<vmem>>) dst(%dma_wait3A_233 : memref<1152x128xf32, #tpu.memory_space<vmem_shared>>)
        %dma_wait3A_234 = arith.constant 0 : i32
        %dma_wait3A_235 = arith.constant 0 : i32
        %dma_wait3A_236 = tpu.memref_slice %arg8[%dma_wait3A_234, %dma_wait3A_235] : memref<5x128xi32, #tpu.memory_space<vmem>> -> memref<1x128xi32, #tpu.memory_space<vmem>>
        %dma_wait3A_237 = tpu.memref_squeeze %dma_wait3A_236 : memref<1x128xi32, #tpu.memory_space<vmem>> -> memref<128xi32, #tpu.memory_space<vmem>>
        %dma_wait3A_238 = arith.constant 0 : i32
        %dma_wait3A_239 = arith.constant 0 : i32
        %dma_wait3A_240 = tpu.memref_slice %arg12[%dma_wait3A_238, %dma_wait3A_239] : memref<1152x128xf32, #tpu.memory_space<vmem_shared>> -> memref<1152x128xf32, #tpu.memory_space<vmem_shared>>
        tpu.wait_indirect_dma semaphore(%arg15 : memref<!tpu.dma_semaphore, #tpu.memory_space<semaphore_mem>>) src(%arg10 : memref<128x128xf32, #tpu.memory_space<vmem>>) dst(%dma_wait3A_240 : memref<1152x128xf32, #tpu.memory_space<vmem_shared>>)
      } else {
      }
      %add3A_198 = arith.constant 1 : i32
      %add3A_199 = arith.addi %mul3A_134, %add3A_198 : i32
      %lt3A_200 = arith.cmpi slt, %add3A_199, %scan3A_104 : i32
      %convert_element_type3A_201 = arith.extui %lt3A_200 : i1 to i32
      %cond3A_202 = arith.constant 0 : i32
      %cond3A_203 = arith.cmpi ne, %convert_element_type3A_201, %cond3A_202 : i32
      scf.if %cond3A_203 {
        %dma_wait3A_222 = arith.constant 1 : i32
        %dma_wait3A_223 = arith.constant 1 : i32
        %dma_wait3A_224 = arith.constant 0 : i32
        %dma_wait3A_225 = arith.constant 0 : i32
        %dma_wait3A_226 = tpu.memref_slice %arg9[%dma_wait3A_222, %dma_wait3A_224, %dma_wait3A_225] : memref<5x128x128xf32, #tpu.memory_space<vmem>> -> memref<1x128x128xf32, #tpu.memory_space<vmem>>
        %dma_wait3A_227 = tpu.memref_squeeze %dma_wait3A_226 : memref<1x128x128xf32, #tpu.memory_space<vmem>> -> memref<128x128xf32, #tpu.memory_space<vmem>>
        %dma_wait3A_228 = arith.constant 0 : i32
        %dma_wait3A_229 = tpu.memref_slice %arg8[%dma_wait3A_223, %dma_wait3A_228] : memref<5x128xi32, #tpu.memory_space<vmem>> -> memref<1x128xi32, #tpu.memory_space<vmem>>
        %dma_wait3A_230 = tpu.memref_squeeze %dma_wait3A_229 : memref<1x128xi32, #tpu.memory_space<vmem>> -> memref<128xi32, #tpu.memory_space<vmem>>
        %dma_wait3A_231 = arith.constant 0 : i32
        %dma_wait3A_232 = arith.constant 0 : i32
        %dma_wait3A_233 = tpu.memref_slice %arg11[%dma_wait3A_231, %dma_wait3A_232] : memref<1152x128xf32, #tpu.memory_space<vmem_shared>> -> memref<1152x128xf32, #tpu.memory_space<vmem_shared>>
        tpu.wait_indirect_dma semaphore(%arg14 : memref<!tpu.dma_semaphore, #tpu.memory_space<semaphore_mem>>) src(%dma_wait3A_227 : memref<128x128xf32, #tpu.memory_space<vmem>>) dst(%dma_wait3A_233 : memref<1152x128xf32, #tpu.memory_space<vmem_shared>>)
        %dma_wait3A_234 = arith.constant 1 : i32
        %dma_wait3A_235 = arith.constant 0 : i32
        %dma_wait3A_236 = tpu.memref_slice %arg8[%dma_wait3A_234, %dma_wait3A_235] : memref<5x128xi32, #tpu.memory_space<vmem>> -> memref<1x128xi32, #tpu.memory_space<vmem>>
        %dma_wait3A_237 = tpu.memref_squeeze %dma_wait3A_236 : memref<1x128xi32, #tpu.memory_space<vmem>> -> memref<128xi32, #tpu.memory_space<vmem>>
        %dma_wait3A_238 = arith.constant 0 : i32
        %dma_wait3A_239 = arith.constant 0 : i32
        %dma_wait3A_240 = tpu.memref_slice %arg12[%dma_wait3A_238, %dma_wait3A_239] : memref<1152x128xf32, #tpu.memory_space<vmem_shared>> -> memref<1152x128xf32, #tpu.memory_space<vmem_shared>>
        tpu.wait_indirect_dma semaphore(%arg15 : memref<!tpu.dma_semaphore, #tpu.memory_space<semaphore_mem>>) src(%arg10 : memref<128x128xf32, #tpu.memory_space<vmem>>) dst(%dma_wait3A_240 : memref<1152x128xf32, #tpu.memory_space<vmem_shared>>)
      } else {
      }
      %add3A_204 = arith.constant 2 : i32
      %add3A_205 = arith.addi %mul3A_134, %add3A_204 : i32
      %lt3A_206 = arith.cmpi slt, %add3A_205, %scan3A_104 : i32
      %convert_element_type3A_207 = arith.extui %lt3A_206 : i1 to i32
      %cond3A_208 = arith.constant 0 : i32
      %cond3A_209 = arith.cmpi ne, %convert_element_type3A_207, %cond3A_208 : i32
      scf.if %cond3A_209 {
        %dma_wait3A_222 = arith.constant 2 : i32
        %dma_wait3A_223 = arith.constant 2 : i32
        %dma_wait3A_224 = arith.constant 0 : i32
        %dma_wait3A_225 = arith.constant 0 : i32
        %dma_wait3A_226 = tpu.memref_slice %arg9[%dma_wait3A_222, %dma_wait3A_224, %dma_wait3A_225] : memref<5x128x128xf32, #tpu.memory_space<vmem>> -> memref<1x128x128xf32, #tpu.memory_space<vmem>>
        %dma_wait3A_227 = tpu.memref_squeeze %dma_wait3A_226 : memref<1x128x128xf32, #tpu.memory_space<vmem>> -> memref<128x128xf32, #tpu.memory_space<vmem>>
        %dma_wait3A_228 = arith.constant 0 : i32
        %dma_wait3A_229 = tpu.memref_slice %arg8[%dma_wait3A_223, %dma_wait3A_228] : memref<5x128xi32, #tpu.memory_space<vmem>> -> memref<1x128xi32, #tpu.memory_space<vmem>>
        %dma_wait3A_230 = tpu.memref_squeeze %dma_wait3A_229 : memref<1x128xi32, #tpu.memory_space<vmem>> -> memref<128xi32, #tpu.memory_space<vmem>>
        %dma_wait3A_231 = arith.constant 0 : i32
        %dma_wait3A_232 = arith.constant 0 : i32
        %dma_wait3A_233 = tpu.memref_slice %arg11[%dma_wait3A_231, %dma_wait3A_232] : memref<1152x128xf32, #tpu.memory_space<vmem_shared>> -> memref<1152x128xf32, #tpu.memory_space<vmem_shared>>
        tpu.wait_indirect_dma semaphore(%arg14 : memref<!tpu.dma_semaphore, #tpu.memory_space<semaphore_mem>>) src(%dma_wait3A_227 : memref<128x128xf32, #tpu.memory_space<vmem>>) dst(%dma_wait3A_233 : memref<1152x128xf32, #tpu.memory_space<vmem_shared>>)
        %dma_wait3A_234 = arith.constant 2 : i32
        %dma_wait3A_235 = arith.constant 0 : i32
        %dma_wait3A_236 = tpu.memref_slice %arg8[%dma_wait3A_234, %dma_wait3A_235] : memref<5x128xi32, #tpu.memory_space<vmem>> -> memref<1x128xi32, #tpu.memory_space<vmem>>
        %dma_wait3A_237 = tpu.memref_squeeze %dma_wait3A_236 : memref<1x128xi32, #tpu.memory_space<vmem>> -> memref<128xi32, #tpu.memory_space<vmem>>
        %dma_wait3A_238 = arith.constant 0 : i32
        %dma_wait3A_239 = arith.constant 0 : i32
        %dma_wait3A_240 = tpu.memref_slice %arg12[%dma_wait3A_238, %dma_wait3A_239] : memref<1152x128xf32, #tpu.memory_space<vmem_shared>> -> memref<1152x128xf32, #tpu.memory_space<vmem_shared>>
        tpu.wait_indirect_dma semaphore(%arg15 : memref<!tpu.dma_semaphore, #tpu.memory_space<semaphore_mem>>) src(%arg10 : memref<128x128xf32, #tpu.memory_space<vmem>>) dst(%dma_wait3A_240 : memref<1152x128xf32, #tpu.memory_space<vmem_shared>>)
      } else {
      }
      %add3A_210 = arith.constant 3 : i32
      %add3A_211 = arith.addi %mul3A_134, %add3A_210 : i32
      %lt3A_212 = arith.cmpi slt, %add3A_211, %scan3A_104 : i32
      %convert_element_type3A_213 = arith.extui %lt3A_212 : i1 to i32
      %cond3A_214 = arith.constant 0 : i32
      %cond3A_215 = arith.cmpi ne, %convert_element_type3A_213, %cond3A_214 : i32
      scf.if %cond3A_215 {
        %dma_wait3A_222 = arith.constant 3 : i32
        %dma_wait3A_223 = arith.constant 3 : i32
        %dma_wait3A_224 = arith.constant 0 : i32
        %dma_wait3A_225 = arith.constant 0 : i32
        %dma_wait3A_226 = tpu.memref_slice %arg9[%dma_wait3A_222, %dma_wait3A_224, %dma_wait3A_225] : memref<5x128x128xf32, #tpu.memory_space<vmem>> -> memref<1x128x128xf32, #tpu.memory_space<vmem>>
        %dma_wait3A_227 = tpu.memref_squeeze %dma_wait3A_226 : memref<1x128x128xf32, #tpu.memory_space<vmem>> -> memref<128x128xf32, #tpu.memory_space<vmem>>
        %dma_wait3A_228 = arith.constant 0 : i32
        %dma_wait3A_229 = tpu.memref_slice %arg8[%dma_wait3A_223, %dma_wait3A_228] : memref<5x128xi32, #tpu.memory_space<vmem>> -> memref<1x128xi32, #tpu.memory_space<vmem>>
        %dma_wait3A_230 = tpu.memref_squeeze %dma_wait3A_229 : memref<1x128xi32, #tpu.memory_space<vmem>> -> memref<128xi32, #tpu.memory_space<vmem>>
        %dma_wait3A_231 = arith.constant 0 : i32
        %dma_wait3A_232 = arith.constant 0 : i32
        %dma_wait3A_233 = tpu.memref_slice %arg11[%dma_wait3A_231, %dma_wait3A_232] : memref<1152x128xf32, #tpu.memory_space<vmem_shared>> -> memref<1152x128xf32, #tpu.memory_space<vmem_shared>>
        tpu.wait_indirect_dma semaphore(%arg14 : memref<!tpu.dma_semaphore, #tpu.memory_space<semaphore_mem>>) src(%dma_wait3A_227 : memref<128x128xf32, #tpu.memory_space<vmem>>) dst(%dma_wait3A_233 : memref<1152x128xf32, #tpu.memory_space<vmem_shared>>)
        %dma_wait3A_234 = arith.constant 3 : i32
        %dma_wait3A_235 = arith.constant 0 : i32
        %dma_wait3A_236 = tpu.memref_slice %arg8[%dma_wait3A_234, %dma_wait3A_235] : memref<5x128xi32, #tpu.memory_space<vmem>> -> memref<1x128xi32, #tpu.memory_space<vmem>>
        %dma_wait3A_237 = tpu.memref_squeeze %dma_wait3A_236 : memref<1x128xi32, #tpu.memory_space<vmem>> -> memref<128xi32, #tpu.memory_space<vmem>>
        %dma_wait3A_238 = arith.constant 0 : i32
        %dma_wait3A_239 = arith.constant 0 : i32
        %dma_wait3A_240 = tpu.memref_slice %arg12[%dma_wait3A_238, %dma_wait3A_239] : memref<1152x128xf32, #tpu.memory_space<vmem_shared>> -> memref<1152x128xf32, #tpu.memory_space<vmem_shared>>
        tpu.wait_indirect_dma semaphore(%arg15 : memref<!tpu.dma_semaphore, #tpu.memory_space<semaphore_mem>>) src(%arg10 : memref<128x128xf32, #tpu.memory_space<vmem>>) dst(%dma_wait3A_240 : memref<1152x128xf32, #tpu.memory_space<vmem_shared>>)
      } else {
      }
      %add3A_216 = arith.constant 4 : i32
      %add3A_217 = arith.addi %mul3A_134, %add3A_216 : i32
      %lt3A_218 = arith.cmpi slt, %add3A_217, %scan3A_104 : i32
      %convert_element_type3A_219 = arith.extui %lt3A_218 : i1 to i32
      %cond3A_220 = arith.constant 0 : i32
      %cond3A_221 = arith.cmpi ne, %convert_element_type3A_219, %cond3A_220 : i32
      scf.if %cond3A_221 {
        %dma_wait3A_222 = arith.constant 4 : i32
        %dma_wait3A_223 = arith.constant 4 : i32
        %dma_wait3A_224 = arith.constant 0 : i32
        %dma_wait3A_225 = arith.constant 0 : i32
        %dma_wait3A_226 = tpu.memref_slice %arg9[%dma_wait3A_222, %dma_wait3A_224, %dma_wait3A_225] : memref<5x128x128xf32, #tpu.memory_space<vmem>> -> memref<1x128x128xf32, #tpu.memory_space<vmem>>
        %dma_wait3A_227 = tpu.memref_squeeze %dma_wait3A_226 : memref<1x128x128xf32, #tpu.memory_space<vmem>> -> memref<128x128xf32, #tpu.memory_space<vmem>>
        %dma_wait3A_228 = arith.constant 0 : i32
        %dma_wait3A_229 = tpu.memref_slice %arg8[%dma_wait3A_223, %dma_wait3A_228] : memref<5x128xi32, #tpu.memory_space<vmem>> -> memref<1x128xi32, #tpu.memory_space<vmem>>
        %dma_wait3A_230 = tpu.memref_squeeze %dma_wait3A_229 : memref<1x128xi32, #tpu.memory_space<vmem>> -> memref<128xi32, #tpu.memory_space<vmem>>
        %dma_wait3A_231 = arith.constant 0 : i32
        %dma_wait3A_232 = arith.constant 0 : i32
        %dma_wait3A_233 = tpu.memref_slice %arg11[%dma_wait3A_231, %dma_wait3A_232] : memref<1152x128xf32, #tpu.memory_space<vmem_shared>> -> memref<1152x128xf32, #tpu.memory_space<vmem_shared>>
        tpu.wait_indirect_dma semaphore(%arg14 : memref<!tpu.dma_semaphore, #tpu.memory_space<semaphore_mem>>) src(%dma_wait3A_227 : memref<128x128xf32, #tpu.memory_space<vmem>>) dst(%dma_wait3A_233 : memref<1152x128xf32, #tpu.memory_space<vmem_shared>>)
        %dma_wait3A_234 = arith.constant 4 : i32
        %dma_wait3A_235 = arith.constant 0 : i32
        %dma_wait3A_236 = tpu.memref_slice %arg8[%dma_wait3A_234, %dma_wait3A_235] : memref<5x128xi32, #tpu.memory_space<vmem>> -> memref<1x128xi32, #tpu.memory_space<vmem>>
        %dma_wait3A_237 = tpu.memref_squeeze %dma_wait3A_236 : memref<1x128xi32, #tpu.memory_space<vmem>> -> memref<128xi32, #tpu.memory_space<vmem>>
        %dma_wait3A_238 = arith.constant 0 : i32
        %dma_wait3A_239 = arith.constant 0 : i32
        %dma_wait3A_240 = tpu.memref_slice %arg12[%dma_wait3A_238, %dma_wait3A_239] : memref<1152x128xf32, #tpu.memory_space<vmem_shared>> -> memref<1152x128xf32, #tpu.memory_space<vmem_shared>>
        tpu.wait_indirect_dma semaphore(%arg15 : memref<!tpu.dma_semaphore, #tpu.memory_space<semaphore_mem>>) src(%arg10 : memref<128x128xf32, #tpu.memory_space<vmem>>) dst(%dma_wait3A_240 : memref<1152x128xf32, #tpu.memory_space<vmem_shared>>)
      } else {
      }
    }
    %scan3A_111 = arith.constant 16 : i32
    %barrier3A_112 = arith.constant 0 : index
    tpu.barrier barrier_id(%barrier3A_112)
    %mul3A_113 = arith.constant 1152 : i32
    %mul3A_114 = arith.muli %arg0, %mul3A_113 : i32
    %add3A_115 = arith.addi %mul3A_114, %mul3A_95 : i32
    %dma_start3A_116 = arith.constant 0 : i32
    %dma_start3A_117 = tpu.memref_slice %arg4[%add3A_115, %dma_start3A_116] : memref<2304x128xf32, #tpu.memory_space<hbm>> -> memref<72x128xf32, #tpu.memory_space<hbm>>
    %dma_start3A_118 = arith.constant 0 : i32
    %dma_start3A_119 = tpu.memref_slice %arg11[%mul3A_95, %dma_start3A_118] : memref<1152x128xf32, #tpu.memory_space<vmem_shared>> -> memref<72x128xf32, #tpu.memory_space<vmem_shared>>
    tpu.enqueue_dma source(%dma_start3A_119 : memref<72x128xf32, #tpu.memory_space<vmem_shared>>) target(%dma_start3A_117 : memref<72x128xf32, #tpu.memory_space<hbm>>) target_semaphore(%arg13 : memref<!tpu.dma_semaphore, #tpu.memory_space<semaphore_mem>>)
    %dma_start3A_120 = arith.constant 0 : i32
    %dma_start3A_121 = tpu.memref_slice %arg5[%add3A_115, %dma_start3A_120] : memref<2304x128xf32, #tpu.memory_space<hbm>> -> memref<72x128xf32, #tpu.memory_space<hbm>>
    %dma_start3A_122 = arith.constant 0 : i32
    %dma_start3A_123 = tpu.memref_slice %arg12[%mul3A_95, %dma_start3A_122] : memref<1152x128xf32, #tpu.memory_space<vmem_shared>> -> memref<72x128xf32, #tpu.memory_space<vmem_shared>>
    tpu.enqueue_dma source(%dma_start3A_123 : memref<72x128xf32, #tpu.memory_space<vmem_shared>>) target(%dma_start3A_121 : memref<72x128xf32, #tpu.memory_space<hbm>>) target_semaphore(%arg14 : memref<!tpu.dma_semaphore, #tpu.memory_space<semaphore_mem>>)
    %dma_wait3A_124 = arith.constant 0 : i32
    %dma_wait3A_125 = tpu.memref_slice %arg4[%add3A_115, %dma_wait3A_124] : memref<2304x128xf32, #tpu.memory_space<hbm>> -> memref<72x128xf32, #tpu.memory_space<hbm>>
    %dma_wait3A_126 = arith.constant 0 : i32
    %dma_wait3A_127 = tpu.memref_slice %arg11[%mul3A_95, %dma_wait3A_126] : memref<1152x128xf32, #tpu.memory_space<vmem_shared>> -> memref<72x128xf32, #tpu.memory_space<vmem_shared>>
    tpu.wait_dma2 semaphore(%arg13 : memref<!tpu.dma_semaphore, #tpu.memory_space<semaphore_mem>>) src(%dma_wait3A_127 : memref<72x128xf32, #tpu.memory_space<vmem_shared>>) dst(%dma_wait3A_125 : memref<72x128xf32, #tpu.memory_space<hbm>>)
    %dma_wait3A_128 = arith.constant 0 : i32
    %dma_wait3A_129 = tpu.memref_slice %arg5[%add3A_115, %dma_wait3A_128] : memref<2304x128xf32, #tpu.memory_space<hbm>> -> memref<72x128xf32, #tpu.memory_space<hbm>>
    %dma_wait3A_130 = arith.constant 0 : i32
    %dma_wait3A_131 = tpu.memref_slice %arg12[%mul3A_95, %dma_wait3A_130] : memref<1152x128xf32, #tpu.memory_space<vmem_shared>> -> memref<72x128xf32, #tpu.memory_space<vmem_shared>>
    tpu.wait_dma2 semaphore(%arg14 : memref<!tpu.dma_semaphore, #tpu.memory_space<semaphore_mem>>) src(%dma_wait3A_131 : memref<72x128xf32, #tpu.memory_space<vmem_shared>>) dst(%dma_wait3A_129 : memref<72x128xf32, #tpu.memory_space<hbm>>)
    return
  }
}

module attributes {stable_mosaic.version = 14 : i64} {
  func.func @_finalize_body(%arg0: memref<2304x128xf32, #tpu.memory_space<vmem>>, %arg1: memref<2304x128xf32, #tpu.memory_space<vmem>>, %arg2: memref<1024x128xf32, #tpu.memory_space<vmem>>) attributes {dimension_semantics = [], scalar_prefetch = 0 : i64, scratch_operands = 0 : i64, tpu.core_type = #tpu.core_type<tc>} {
    %get3A = arith.constant 0 : index
    %get3A_0 = arith.constant 0 : index
    %get3A_1 = vector.load %arg0[%get3A, %get3A_0] : memref<2304x128xf32, #tpu.memory_space<vmem>>, vector<1024x128xf32>
    %get3A_2 = arith.constant 1152 : index
    %get3A_3 = arith.constant 0 : index
    %get3A_4 = vector.load %arg0[%get3A_2, %get3A_3] : memref<2304x128xf32, #tpu.memory_space<vmem>>, vector<1024x128xf32>
    %add3A = arith.addf %get3A_1, %get3A_4 : vector<1024x128xf32>
    %get3A_5 = arith.constant 0 : index
    %get3A_6 = arith.constant 0 : index
    %get3A_7 = vector.load %arg1[%get3A_5, %get3A_6] : memref<2304x128xf32, #tpu.memory_space<vmem>>, vector<1024x1xf32>
    %get3A_8 = arith.constant 1152 : index
    %get3A_9 = arith.constant 0 : index
    %get3A_10 = vector.load %arg1[%get3A_8, %get3A_9] : memref<2304x128xf32, #tpu.memory_space<vmem>>, vector<1024x1xf32>
    %add3A_11 = arith.addf %get3A_7, %get3A_10 : vector<1024x1xf32>
    %max3A = arith.constant 1.000000e+00 : f32
    %max3A_12 = vector.broadcast %max3A : f32 to vector<1024x1xf32>
    %max3A_13 = arith.maximumf %add3A_11, %max3A_12 : vector<1024x1xf32>
    %div3A = vector.broadcast %max3A_13 : vector<1024x1xf32> to vector<1024x128xf32>
    %div3A_14 = arith.divf %add3A, %div3A : vector<1024x128xf32>
    %swap3A = arith.constant 0 : index
    %swap3A_15 = arith.constant 0 : index
    %swap3A_16 = vector.load %arg2[%swap3A, %swap3A_15] : memref<1024x128xf32, #tpu.memory_space<vmem>>, vector<1024x128xf32>
    tpu.vector_store %arg2[%swap3A, %swap3A_15], %div3A_14 {strides = array<i32>} : memref<1024x128xf32, #tpu.memory_space<vmem>>, vector<1024x128xf32>,
    return
  }
}

</mosaic_0001>

<sc_bundles>
// kernel: kernel.4.cloned.1.call-start
scs
__scs_entry_jumppad:
0x0: {  	(pc) =	sbr.rel $0x88, $3  }
0x1: {  	(tag) =	ssettag $0x0;
	lr =	simm.s32 $0x1  }
0x2: {  	[smem:$0x3F9F] =	sst lr;
	_ =	strace $0xD0000000  }
0x3: {  	_ = 	snop  }
0x4: {  	_ = 	snop  }
0x5: {  	_ = 	snop  }
0x6: {  	_ = 	snop  }
0x7: {  	_ = 	snop  }
__scs_overlays_trampoline_lowered:
0x8: {  	[smem:$0x3FAE] =	sst s0  }
0x9: {  	[smem:$0x3FAF] =	sst s1  }
0xa: {  	[smem:$0x3FB0] =	sst s2  }
0xb: {  	[smem:$0x3FB1] =	sst s3  }
0xc: {  	[smem:$0x3FB2] =	sst s4  }
0xd: {  	[smem:$0x3FB3] =	sst s5  }
0xe: {  	[smem:$0x3FB4] =	sst s6  }
0xf: {  	[smem:$0x3FB5] =	sst s7  }
0x10: {  	[smem:$0x3FB6] =	sst s8  }
0x11: {  	[smem:$0x3FB7] =	sst s9;
	s0 =	simm.s32 @!p0 $0x0  }
0x12: {  	s1 =	sld [smem:$0x3F9D];
	s0 =	simm.s32 @p0 $0x1  }
0x13: {  	[smem:$0x3FB8] =	sst s0;
	s0 =	simm.s32 @!p1 $0x0  }
0x14: {  	s2 =	sld [smem:$0x3F9C];
	s0 =	simm.s32 @p1 $0x1  }
0x15: {  	[smem:$0x3FB9] =	sst s0;
	s0 =	simm.s32 @!p2 $0x0  }
0x16: {  	s3 =	sld [smem:$0x3FDB];
	s0 =	simm.s32 @p2 $0x1  }
0x17: {  	s4 =	simm.s32 $0x1BF5;
	[smem:$0x3FBB] =	sst s0  }
0x18: {  	s0 =	sld [smem:$0x3F9E];
	_ =	swait.ge [sflag:s4], $0x0  }
0x19: {  	s7 =	sld [smem:$0x3F9F]  }
0x1a: {  	s8 =	sadd.s32 $0xFFFFE003, lr  }
0x1b: {  	s9 =	sadd.s32 $0xFFFFFEF7, lr;
	s5 =	simm.s32 $0xFFFFFFFF;
	p2 =	slt.u32 s8, $0xFFFFF086  }
0x1c: {  	p1 =	slt.u32 s9, $0xF7A;
	s5 =	simm.s32 @!p2 $0x0  }
0x1d: {  	s5 =	simm.s32 @p1 $0x1;
	p0 =	seq.s32 s7, s2  }
0x1e: {  	s7 =	smul.u32 @!p0 $0xF7A, s2;
	p2 =	seq.s32 @!p0 s5, $0x0  }
0x1f: {  	s9 =	smul.u32 $0xF7A, s1;
	s8 =	simm.s32 @!p0 $0x1BF5;
	p2 =	por !p2, p0  }
0x20: {  	[sflag:s8] =	ssyncset.s32 @!p0 $0xFFFFF086;
	s6 =	sadd.s32 @!p0 s3, s7;
	s7 =	simm.s32 @!p0 $0x108  }
0x21: {  	s3 =	sadd.s32 s3, s9;
	s6 =	sadd.s32 @!p0 $0x88, s6;
	s7 =	simm.s32 @p2 $0x1082  }
0x22: {  	[simem:s7], [sflag:s8] =	dma.local @!p0 [hbm:s6], $0xF7A  }
0x23: {  	s9 =	sor.u32 $0xD0000000, s2;
	s6 =	simm.s32 $0x108;
	_ =	swait.ge @!p0 [sflag:s8], $0x0  }
0x24: {  	s3 =	sadd.s32 $0x88, s3;
	s6 =	simm.s32 @!p1 $0x1082;
	[sflag:s4] =	ssyncset.s32 $0xFFFFF086  }
0x25: {  	[simem:s6], [sflag:s4] =	dma.local [hbm:s3], $0xF7A  }
0x26: {  	[smem:$0x3F9F] =	sst s1;
	(tag) =	ssettag s2;
	_ =	strace s9  }
0x27: {  	s1 =	sld [smem:$0x3FAF]  }
0x28: {  	s2 =	sld [smem:$0x3FB0]  }
0x29: {  	s4 =	sld [smem:$0x3FB2]  }
0x2a: {  	p0 =	seq.s32 s5, $0x0;
	s5 =	sld [smem:$0x3FB3]  }
0x2b: {  	s6 =	sld [smem:$0x3FB4]  }
0x2c: {  	s7 =	sld [smem:$0x3FB5]  }
0x2d: {  	s3 =	simm.s32 $0x108;
	s8 =	sld [smem:$0x3FB6]  }
0x2e: {  	s3 =	simm.s32 @!p0 $0x1082;
	s9 =	sld [smem:$0x3FB7]  }
0x2f: {  	lr =	sadd.s32 s0, s3;
	s0 =	sld [smem:$0x3FAE]  }
0x30: {  	s3 =	sld [smem:$0x3FB1]  }
0x31: {  	[smem:$0x3FBA] =	sst s10  }
0x32: {  	s10 =	sld [smem:$0x3FB8];
	_ =	sdelay $0x3  }
0x33: {  	p0 =	seq.s32 s10, $0x1;
	s10 =	sld [smem:$0x3FBA];
	_ =	sdelay $0x3  }
0x34: {  	[smem:$0x3FBA] =	sst s10  }
0x35: {  	s10 =	sld [smem:$0x3FB9];
	_ =	sdelay $0x3  }
0x36: {  	p1 =	seq.s32 s10, $0x1;
	s10 =	sld [smem:$0x3FBA];
	_ =	sdelay $0x3  }
0x37: {  	[smem:$0x3FBA] =	sst s10  }
0x38: {  	s10 =	sld [smem:$0x3FBB]  }
0x39: {  	_ = 	snop;
	(pc) =	sbr.ind lr, $3  }
0x3a: {  	_ = 	snop  }
0x3b: {  	_ = 	snop  }
0x3c: {  	p2 =	seq.s32 s10, $0x1;
	s10 =	sld [smem:$0x3FBA]  }
0x3d: {  	_ =	shalt  }
0x3e: {  	_ =	shalt  }
0x3f: {  	_ =	shalt  }
0x40: {  	_ =	shalt  }
0x41: {  	_ =	shalt  }
0x42: {  	_ =	shalt  }
0x43: {  	_ =	shalt  }
0x44: {  	_ =	shalt  }
0x45: {  	_ =	shalt  }
0x46: {  	_ =	shalt  }
0x47: {  	_ =	shalt  }
0x48: {  	_ =	shalt  }
0x49: {  	_ =	shalt  }
0x4a: {  	_ =	shalt  }
0x4b: {  	_ =	shalt  }
0x4c: {  	_ =	shalt  }
0x4d: {  	_ =	shalt  }
0x4e: {  	_ =	shalt  }
0x4f: {  	_ =	shalt  }
0x50: {  	_ =	shalt  }
0x51: {  	_ =	shalt  }
0x52: {  	_ =	shalt  }
0x53: {  	_ =	shalt  }
0x54: {  	_ =	shalt  }
0x55: {  	_ =	shalt  }
0x56: {  	_ =	shalt  }
0x57: {  	_ =	shalt  }
0x58: {  	_ =	shalt  }
0x59: {  	_ =	shalt  }
0x5a: {  	_ =	shalt  }
0x5b: {  	_ =	shalt  }
0x5c: {  	_ =	shalt  }
0x5d: {  	_ =	shalt  }
0x5e: {  	_ =	shalt  }
0x5f: {  	_ =	shalt  }
0x60: {  	_ =	shalt  }
0x61: {  	_ =	shalt  }
0x62: {  	_ =	shalt  }
0x63: {  	_ =	shalt  }
0x64: {  	_ =	shalt  }
0x65: {  	_ =	shalt  }
0x66: {  	_ =	shalt  }
0x67: {  	_ =	shalt  }
0x68: {  	_ =	shalt  }
0x69: {  	_ =	shalt  }
0x6a: {  	_ =	shalt  }
0x6b: {  	_ =	shalt  }
0x6c: {  	_ =	shalt  }
0x6d: {  	_ =	shalt  }
0x6e: {  	_ =	shalt  }
0x6f: {  	_ =	shalt  }
0x70: {  	_ =	shalt  }
0x71: {  	_ =	shalt  }
0x72: {  	_ =	shalt  }
0x73: {  	_ =	shalt  }
0x74: {  	_ =	shalt  }
0x75: {  	_ =	shalt  }
0x76: {  	_ =	shalt  }
0x77: {  	_ =	shalt  }
0x78: {  	_ =	shalt  }
0x79: {  	_ =	shalt  }
0x7a: {  	_ =	shalt  }
0x7b: {  	_ =	shalt  }
0x7c: {  	_ =	shalt  }
0x7d: {  	_ =	shalt  }
0x7e: {  	_ =	shalt  }
0x7f: {  	_ =	shalt  }
0x80: {  	_ =	shalt  }
0x81: {  	_ =	shalt  }
0x82: {  	_ =	shalt  }
0x83: {  	_ =	shalt  }
0x84: {  	_ =	shalt  }
0x85: {  	_ =	shalt  }
0x86: {  	_ =	shalt  }
0x87: {  	_ =	shalt  }
.Lfunc_end0:
.L_simem_size_0:
called_computation_lowered:
.L_overlay_start_0:
0x88: {  	s2 =	sld [smem:$0x3FD9]  }
0x89: {  	s3 =	sld [smem:$0x3FFE];
	_ =	sdelay $0x1  }
0x8a: {  	s1 =	srdreg.scid  }
0x8b: {  	s0 =	sand.u32 $0x1, s1  }
0x8c: {  	s17 =	sshll.u32 s0, $0xA;
	s2 =	sadd.s32 s3, s2  }
0x8d: {  	s2 =	sadd.s32 s2, s17  }
0x8e: {  	[smem:$0x3FC6] =	sst s2  }
0x8f: {  	_ = 	snop  }
0x90: {  	s2 =	sld [smem:$0x3FC9]  }
0x91: {  	s18 =	sld [smem:$0x3FC8];
	(tm) =	ssettm $0x1  }
0x92: {  	s4 =	sld [smem:$0x3FFB];
	_ =	sdelay $0x3  }
0x93: {  	_ =	strace s4  }
0x94: {  	s4 =	sld [smem:$0x3FFC];
	_ =	sdelay $0x3  }
0x95: {  	_ =	strace s4  }
0x96: {  	s4 =	sld [smem:$0x3FFD];
	_ =	sdelay $0x3  }
0x97: {  	_ =	strace s4  }
0x98: {  	_ =	strace $0x8FFFFFFF  }
0x99: {  	s19 =	sld [smem:$0x3FDB];
	_ =	sdelay $0x1  }
0x9a: {  	s5 =	simm.s32 $_scs_section_size  }
0x9b: {  	s6 =	simm.s32 $_size__tile_overlayer_lowered;
	s7 =	simm.s32 $_tile_overlayer_lowered  }
0x9c: {  	s22 =	simm.s32 $0x1BFF;
	s21 =	sshll.u32 s7, $0x1;
	s4 =	sadd.s32 s5, s19  }
0x9d: {  	s8 =	simm.s32 $0x0;
	s20 =	sshll.u32 s6, $0x1;
	s6 =	sadd.s32 s21, s4  }
0x9e: {  	[timem:s8], [sflag:s22] =	dma.local [hbm:s6], s20  }
0x9f: {  	_ =	swait.ge [sflag:s22], s20  }
0xa0: {  	s5 =	ssub.s32 $0x0, s20;
	[sflag:s22] =	ssyncset.done $0x0  }
0xa1: {  	[sflag:s22] =	ssyncadd.s32 s5;
	_ =	sdelay $0x1  }
0xa2: {  	s23 =	simm.s32 $0x1B8B  }
0xa3: {  	_ =	swait.ge [sflag:s23], $0x1  }
0xa4: {  	[sflag:s23] =	ssyncset.done $0x0  }
0xa5: {  	s25 =	simm.s32 $0x1B8E;
	s24 =	sld [smem:$0x3FFE];
	[sflag:s23] =	ssyncadd.s32 $0xFFFFFFFF  }
0xa6: {  	s26 =	simm.s32 $execute0_lowered;
	[smem:$0x3FD2] =	sst s25  }
0xa7: {  	s6 =	sshll.u32 s26, $0x1;
	_ =	strace $0x80000046;
	[dreg:$0x1] =	wrdreg $0xFFFFFFFF  }
0xa8: {  	s28 =	simm.s32 $_size_execute0_lowered;
	s4 =	sadd.s32 s4, s6;
	[dreg:$0x0] =	wrdreg $0x0  }
0xa9: {  	s6 =	sshll.u32 s28, $0x1;
	[dreg:$0x2] =	wrdreg s4  }
0xaa: {  	[dreg:$0x3] =	wrdreg s6  }
0xab: {  	[dreg:$0x4] =	wrdreg $0xC0  }
0xac: {  	_ =	task [dreg:s8], $0x5FFFF  }
0xad: {  	[dreg:$0x1] =	wrdreg $0xFFFFFFFF  }
0xae: {  	[dreg:$0x0] =	wrdreg $0x60  }
0xaf: {  	[dreg:$0x2] =	wrdreg s2  }
0xb0: {  	[dreg:$0x3] =	wrdreg s18  }
0xb1: {  	[dreg:$0x4] =	wrdreg s24  }
0xb2: {  	[dreg:$0x5] =	wrdreg $0x1AC800  }
0xb3: {  	[dreg:$0x6] =	wrdreg $0x1D0800  }
0xb4: {  	[dreg:$0x7] =	wrdreg $0x9  }
0xb5: {  	_ =	task.clear_ibuf [dreg:s8], $0x8FFFF;
	_ =	strace $0x90000046  }
0xb6: {  	s29 =	simm.s32 $0x9;
	_ =	strace $0x80000048  }
0xb7: {  	_ =	swait.ge [sflag:s29], $0x1  }
0xb8: {  	[sflag:s29] =	ssyncadd.s32 $0xFFFFFFFF  }
0xb9: {  	_ =	strace $0x90000048  }
0xba: {  	_ =	sfence  }
0xbb: {  	s30 =	sld [smem:$0x0];
	_ =	sdelay $0x2  }
0xbc: {  	s31 =	sshll.u32 s1, $0xD;
	s1 =	sshrl.u32 s1, $0x2  }
0xbd: {  	s3 =	sand.u32 $0x4000, s31;
	s1 =	sadd.s32 s1, s30  }
0xbe: {  	s0 =	sor.u32 s3, s0;
	s1 =	sshll.u32 s1, $0x11  }
0xbf: {  	s0 =	sor.u32 s1, s0  }
0xc0: {  	s0 =	sadd.s32 $0x8F2B, s0  }
0xc1: {  	[sflag:s0] =	ssyncadd.remote.s32 $0x1  }
0xc2: {  	_ =	sfence.sel $0xFFFF  }
0xc3: {  	[dreg:$0x0] =	wrdreg $0xFFFFFFFF;
	(pc) =	sbr.abs _section_cstart, $3  }
0xc4: {  	[dreg:$0x1] =	wrdreg $0xFFFFFFFF  }
0xc5: {  	_ =	task.clear_ibuf [dreg:s8], $0x2FFFF;
	_ =	strace $0x9FFFFFFF  }
0xc6: {  	(tm) =	ssettm $0x7FFFFFFF  }
0xc7: {  	_ =	shalt  }
tec
execute0_lowered:
.L_overlay_start_1:
0x0: {  	(tag) =	ssettag $0x1  }
0x1: {  	s12 =	rddreg [dreg:$0x0]  }
0x2: {  	s1 =	rddreg [dreg:$0x1]  }
0x3: {  	s6 =	rddreg [dreg:$0x2]  }
0x4: {  	s2 =	srdreg.scid;
	s3 =	rddreg [dreg:$0x3]  }
0x5: {  	s0 =	stileid.u32;
	s4 =	rddreg [dreg:$0x4]  }
0x6: {  	s5 =	simm.s32 $0x0;
	s17 =	simm.s32 $0x4;
	s18 =	simm.s32 $0x1  }
0x7: {  	s19 =	simm.s32 $0x2;
	s20 =	simm.s32 $0x0;
	s7 =	smul.u32 $0x48, s0  }
0x8: {  	s13 =	sand.u32 $0x1, s2;
	[smem:$0x7FF] =	sst s5;
	s11 =	smul.u32 $0x2400, s0  }
0x9: {  	v0 =	vlaneseq.u32;
	s10 =	sshll.u32 s0, $0x1;
	s31 =	sshll.u32 s0, $0xC;
	s8 =	smul.u32 $0x480, s13  }
0xa: {  	v2 =	vmul.u32 $0x20, v0;
	_ =	strace $0x80000047;
	s30 =	ssub.s32 $0x2, s13;
	s16 =	sor.u32 s13, s10  }
0xb: {  	s12 =	sadd.s32 s31, s12;
	s13 =	sshll.u32 s13, $0xB;
	s9 =	sshrl.u32 s30, $0x1  }
0xc: {  	v1 =	vor.u32 $0x200, v2;
	v0 =	vor.u32 s16, v2;
	v3 =	vor.u32 $0x400, v2;
	s12 =	sadd.s32 s13, s12;
	s13 =	simm.s32 $0x50;
	s7 =	sadd.s32 s7, s8  }
0xd: {  	v4 =	vor.u32 $0x600, v2;
	v5 =	vor.u32 $0x800, v2;
	s15 =	ssub.s32 s30, s9;
	s8 =	ssub.s32 $0x9C4, s10;
	v1 =	vor.u32 s16, v1;
	s7 =	sshll.u32 s7, $0x4  }
0xe: {  	v2 =	vor.u32 s16, v3;
	v3 =	vor.u32 s16, v4;
	v4 =	vor.u32 s16, v5;
	s16 =	simm.s32 $0x5;
	s14 =	sadd.s32 s7, s6;
	s6 =	sadd.s32 s11, s3  }
0xf: {  	s7 =	sadd.s32 s11, s4;
	s11 =	smax.u32 s15, $0x1;
	s15 =	simm.s32 $0x2C80  }
0x10: {  	v6 =	vimm.f32 $0.0e+00;
	v5 =	vimm.f32 $1.000000000e+00;
	v4 =	vmin.u32 v4, $0x9C3;
	s9 =	sadd.s32 $0xC00, s14;
	s10 =	sadd.s32 $0x9C00, s14;
	s14 =	simm.s32 $0x80  }
.LBB2_1:
0x11: {  	[tilespmem:$0x0] =	vst v0  }
0x12: {  	[tilespmem:$0x10] =	vst v1  }
0x13: {  	[tilespmem:$0x20] =	vst v2  }
0x14: {  	[tilespmem:$0x30] =	vst v3  }
0x15: {  	[tilespmem:$0x40] =	vst v4;
	s21 =	simm.s32 $0x0;
	s22 =	simm.s32 $0x200  }
0x16: {  	[tilespmem:s14], [sflag:$0x4] =	stream.indirect.gather [hbm4b:s1+s13], $0x80, s5, s13, $0xb8;
	[tilespmem:$0x1F480] =	vst v63  }
.LBB2_2:
0x17: {  	p0 =	sne.s32 s22, $0xFE00;
	[tilespmem:s21+$0x16CF0] =	vst v5  }
0x18: {  	[tilespmem:s21+$0x16C80] =	vst v5  }
0x19: {  	[tilespmem:s21+$0x16C90] =	vst v5  }
.Ltmp0:
0x1a: {  	[tilespmem:s21+$0x16CA0] =	vst v5;
	(pc) =	sbr.rel @p0 .LBB2_2-.Ltmp0, $4  }
0x1b: {  	[tilespmem:s21+$0x16CB0] =	vst v5  }
0x1c: {  	[tilespmem:s21+$0x16CC0] =	vst v5  }
0x1d: {  	[tilespmem:s21+$0x16CD0] =	vst v5  }
0x1e: {  	[tilespmem:s21+$0x16CE0] =	vst v5;
	s21 =	sshra.s32 s22, $0x2;
	s22 =	sadd.s32 $0x200, s22  }
0x1f: {  	[tilespmem:s21+$0x16CF0] =	vst v5  }
0x20: {  	[tilespmem:s21+$0x16C80] =	vst v5  }
0x21: {  	[tilespmem:s21+$0x16C90] =	vst v5  }
0x22: {  	[tilespmem:s21+$0x16CA0] =	vst v5  }
0x23: {  	[tilespmem:s21+$0x16CB0] =	vst v5  }
0x24: {  	[tilespmem:s21+$0x16CC0] =	vst v5  }
0x25: {  	[tilespmem:s21+$0x16CD0] =	vst v5  }
0x26: {  	[tilespmem:s21+$0x16CE0] =	vst v5;
	s21 =	simm.s32 $0x0;
	s22 =	simm.s32 $0x200  }
.LBB2_4:
0x27: {  	p0 =	sne.s32 s22, $0x8E00;
	[tilespmem:s21+$0x2CF0] =	vst v6  }
0x28: {  	[tilespmem:s21+$0x2C80] =	vst v6  }
0x29: {  	[tilespmem:s21+$0x2C90] =	vst v6  }
.Ltmp1:
0x2a: {  	[tilespmem:s21+$0x2CA0] =	vst v6;
	(pc) =	sbr.rel @p0 .LBB2_4-.Ltmp1, $4  }
0x2b: {  	[tilespmem:s21+$0x2CB0] =	vst v6  }
0x2c: {  	[tilespmem:s21+$0x2CC0] =	vst v6  }
0x2d: {  	[tilespmem:s21+$0x2CD0] =	vst v6  }
0x2e: {  	[tilespmem:s21+$0x2CE0] =	vst v6;
	s21 =	sshra.s32 s22, $0x2;
	s22 =	sadd.s32 $0x200, s22  }
0x2f: {  	[tilespmem:s21+$0x2CF0] =	vst v6  }
0x30: {  	[tilespmem:s21+$0x2C80] =	vst v6  }
0x31: {  	[tilespmem:s21+$0x2C90] =	vst v6  }
0x32: {  	[tilespmem:s21+$0x2CA0] =	vst v6  }
0x33: {  	[tilespmem:s21+$0x2CB0] =	vst v6  }
0x34: {  	[tilespmem:s21+$0x2CC0] =	vst v6  }
0x35: {  	[tilespmem:s21+$0x2CD0] =	vst v6  }
0x36: {  	[tilespmem:s21+$0x2CE0] =	vst v6  }
0x37: {  	[spmem:s6] =	stream.linear.scatter [tilespmem:s15], [sflag:$0x5], $0x2400, $0x38;
	[tilespmem:$0x1F480] =	vst v63  }
0x38: {  	_ =	swait.ge [sflag:s16], $0x2400  }
0x39: {  	[sflag:s16] =	ssyncset.done $0x0  }
0x3a: {  	[sflag:s16] =	ssyncadd.s32 $0xFFFFDC00  }
0x3b: {  	[spmem:s7] =	stream.linear.scatter [tilespmem:s15], [sflag:$0x5], $0x2400, $0x38;
	[tilespmem:$0x1F480] =	vst v63  }
0x3c: {  	_ =	swait.ge [sflag:s16], $0x2400  }
0x3d: {  	[sflag:s16] =	ssyncset.done $0x0  }
0x3e: {  	[sflag:s16] =	ssyncadd.s32 $0xFFFFDC00  }
0x3f: {  	_ =	swait.ge [sflag:s17], $0x2800  }
0x40: {  	[sflag:s17] =	ssyncset.done $0x0  }
0x41: {  	s28 =	simm.s32 $0x80;
	[sflag:s17] =	ssyncadd.s32 $0xFFFFD800  }
0x42: {  	v7 =	vld [tilespmem:s28+$0x0];
	_ =	sdelay $0x4  }
0x43: {  	(v2sf) =	vpush v7, $0x0;
	_ =	sdelay $0x6  }
0x44: {  	s29 =	simm.s32 $0x100  }
0x45: {  	v7 =	vld [tilespmem:s29+$0x0]  }
0x46: {  	s30 =	simm.s32 $0x180  }
0x47: {  	s31 =	simm.s32 $0x200;
	v8 =	vld [tilespmem:s30+$0x0]  }
0x48: {  	v9 =	vld [tilespmem:s31+$0x0];
	_ =	sdelay $0x1  }
0x49: {  	(v2sf) =	vpush v7, $0x0;
	_ =	sdelay $0x1  }
0x4a: {  	s22 =	spop (v2sf);
	(v2sf) =	vpush v8, $0x0  }
0x4b: {  	(v2sf) =	vpush v9, $0x0;
	_ =	sdelay $0x4  }
0x4c: {  	s21 =	simm.s32 $0x0  }
0x4d: {  	s24 =	simm.s32 $0x20;
	p0 =	sgt.u32 s8, $0x0;
	p1 =	slt.s32 s22, $0x400  }
0x4e: {  	s23 =	simm.s32 $0x40;
	s25 =	simm.s32 $0x80;
	p0 =	por !p0, !p1  }
0x4f: {  	s26 =	simm.s32 $0x280;
	s22 =	simm.s32 $0x60;
	p1 =	por !p0, !p0  }
.LBB2_6:
0x50: {  	p0 =	sne.s32 s25, $0x9C0;
	s28 =	simm.s32 $0x1  }
0x51: {  	v7 =	vld [tilespmem:s26+$0x0];
	s29 =	smov.u32 s25;
	s25 =	sadd.s32 $0x20, s25;
	s28 =	simm.s32 @!p1 $0x0  }
.Ltmp2:
0x52: {  	s21 =	sadd.s32 s28, s21;
	(pc) =	sbr.rel @p0 .LBB2_6-.Ltmp2, $4  }
0x53: {  	s28 =	spop (v2sf)  }
0x54: {  	p1 =	slt.u32 s24, s8;
	s24 =	smov.u32 s23;
	p2 =	slt.s32 s28, $0x400  }
0x55: {  	s23 =	smov.u32 s22;
	s22 =	smov.u32 s29;
	p1 =	por !p1, !p2  }
0x56: {  	s26 =	sadd.s32 $0x80, s26;
	(v2sf) =	vpush v7, $0x0;
	p1 =	por !p1, !p1  }
0x57: {  	_ =	sdelay $0x8  }
0x58: {  	s25 =	spop (v2sf)  }
0x59: {  	p0 =	slt.u32 s24, s8;
	s24 =	simm.s32 $0x1;
	p4 =	slt.u32 s23, s8  }
0x5a: {  	s23 =	simm.s32 $0x1;
	p6 =	slt.u32 s22, s8;
	s22 =	simm.s32 $0x1  }
0x5b: {  	p2 =	slt.s32 s25, $0x400;
	s24 =	simm.s32 @!p1 $0x0;
	s30 =	spop (v2sf)  }
0x5c: {  	p0 =	por !p0, !p2;
	p5 =	slt.s32 s30, $0x400;
	s21 =	sadd.s32 s24, s21  }
0x5d: {  	s24 =	smov.u32 s12;
	p0 =	por !p0, !p0;
	s31 =	spop (v2sf)  }
0x5e: {  	p1 =	por !p4, !p5;
	s23 =	simm.s32 @!p0 $0x0;
	p3 =	slt.s32 s31, $0x400  }
0x5f: {  	p1 =	por !p1, !p1;
	s21 =	sadd.s32 s23, s21;
	p0 =	por !p6, !p3  }
0x60: {  	s22 =	simm.s32 @!p1 $0x0;
	s23 =	simm.s32 $0x1;
	p0 =	por !p0, !p0  }
0x61: {  	s21 =	sadd.s32 s22, s21;
	s22 =	simm.s32 $0x4;
	s23 =	simm.s32 @!p0 $0x0  }
0x62: {  	[bflag:$0x0] =	sbarrier.arrive $0xFFFF;
	s21 =	sadd.s32 s23, s21;
	s23 =	simm.s32 $0x1C0  }
.LBB2_8:
0x63: {  	s25 =	sadd.s32 $0xFFFFFFFC, s22;
	s26 =	sadd.s32 $0xFFFFFFFD, s22  }
0x64: {  	s28 =	sadd.s32 $0xFFFFFFFE, s22;
	s31 =	sadd.s32 $0xFFFFFFFF, s22;
	p0 =	sge.s32 s22, s21  }
0x65: {  	p4 =	sge.s32 s25, s21;
	p3 =	sge.s32 s26, s21;
	p2 =	sge.s32 s28, s21  }
0x66: {  	p1 =	sge.s32 s31, s21;
	s25 =	simm.s32 @!p4 $0x0;
	s30 =	simm.s32 @!p4 $0x2C80  }
0x67: {  	[tilespmem:s30], [sflag:$0x1] =	stream.linear.gather @!p4 [hbm4b:s24+s25], $0x4000, $0x38;
	[tilespmem:$0x1F480] =	vst v63  }
0x68: {  	s26 =	simm.s32 @!p3 $0x0;
	s29 =	simm.s32 @!p3 $0x6C80;
	s25 =	sadd.s32 @!p3 $0x10000, s24  }
0x69: {  	[tilespmem:s29], [sflag:$0x1] =	stream.linear.gather @!p3 [hbm4b:s25+s26], $0x4000, $0x38;
	[tilespmem:$0x1F480] =	vst v63  }
0x6a: {  	s28 =	simm.s32 @!p2 $0xAC80;
	s25 =	sadd.s32 @!p2 $0x20000, s24;
	s26 =	simm.s32 @!p2 $0x0  }
0x6b: {  	[tilespmem:s28], [sflag:$0x1] =	stream.linear.gather @!p2 [hbm4b:s25+s26], $0x4000, $0x38;
	[tilespmem:$0x1F480] =	vst v63  }
0x6c: {  	s31 =	simm.s32 @!p1 $0x0;
	s25 =	sadd.s32 @!p1 $0x30000, s24;
	s26 =	simm.s32 @!p1 $0xEC80  }
0x6d: {  	[tilespmem:s26], [sflag:$0x1] =	stream.linear.gather @!p1 [hbm4b:s25+s31], $0x4000, $0x38;
	[tilespmem:$0x1F480] =	vst v63  }
0x6e: {  	s2 =	simm.s32 @!p0 $0x0;
	s31 =	sadd.s32 @!p0 $0x40000, s24;
	s25 =	simm.s32 @!p0 $0x12C80  }
0x6f: {  	[tilespmem:s25], [sflag:$0x1] =	stream.linear.gather @!p0 [hbm4b:s31+s2], $0x4000, $0x38;
	[tilespmem:$0x1F480] =	vst v63  }
0x70: {  	s2 =	simm.s32 @!p4 $0x1  }
0x71: {  	_ =	swait.ge @!p4 [sflag:s2], $0x4000  }
0x72: {  	[sflag:s2] =	ssyncset.done @!p4 $0x0  }
0x73: {  	[sflag:s2] =	ssyncadd.s32 @!p4 $0xFFFFC000  }
0x74: {  	v7 =	vld @!p4 [tilespmem:s23+$0xFFFFFEC0];
	_ =	sdelay $0x4  }
0x75: {  	vm0 =	vlt.s32 @!p4 v7, $0x400  }
0x76: {  	v7 =	vnsel @!p4 vm0, $0x400, v7  }
0x77: {  	[tilespmem:$0x2880] =	vst @!p4 v7  }
0x78: {  	v7 =	vld @!p4 [tilespmem:s23+$0xFFFFFED0];
	_ =	sdelay $0x4  }
0x79: {  	vm0 =	vlt.s32 @!p4 v7, $0x400  }
0x7a: {  	v7 =	vnsel @!p4 vm0, $0x400, v7  }
0x7b: {  	[tilespmem:$0x2890] =	vst @!p4 v7  }
0x7c: {  	v7 =	vld @!p4 [tilespmem:s23+$0xFFFFFEE0];
	_ =	sdelay $0x4  }
0x7d: {  	vm0 =	vlt.s32 @!p4 v7, $0x400  }
0x7e: {  	v7 =	vnsel @!p4 vm0, $0x400, v7  }
0x7f: {  	[tilespmem:$0x28A0] =	vst @!p4 v7  }
0x80: {  	v7 =	vld @!p4 [tilespmem:s23+$0xFFFFFEF0];
	_ =	sdelay $0x4  }
0x81: {  	vm0 =	vlt.s32 @!p4 v7, $0x400  }
0x82: {  	v7 =	vnsel @!p4 vm0, $0x400, v7  }
0x83: {  	[tilespmem:$0x28B0] =	vst @!p4 v7  }
0x84: {  	v7 =	vld @!p4 [tilespmem:s23+$0xFFFFFF00];
	_ =	sdelay $0x4  }
0x85: {  	vm0 =	vlt.s32 @!p4 v7, $0x400  }
0x86: {  	v7 =	vnsel @!p4 vm0, $0x400, v7  }
0x87: {  	[tilespmem:$0x28C0] =	vst @!p4 v7  }
0x88: {  	v7 =	vld @!p4 [tilespmem:s23+$0xFFFFFF10];
	_ =	sdelay $0x4  }
0x89: {  	vm0 =	vlt.s32 @!p4 v7, $0x400  }
0x8a: {  	v7 =	vnsel @!p4 vm0, $0x400, v7  }
0x8b: {  	[tilespmem:$0x28D0] =	vst @!p4 v7  }
0x8c: {  	v7 =	vld @!p4 [tilespmem:s23+$0xFFFFFF20];
	_ =	sdelay $0x4  }
0x8d: {  	vm0 =	vlt.s32 @!p4 v7, $0x400  }
0x8e: {  	v7 =	vnsel @!p4 vm0, $0x400, v7  }
0x8f: {  	[tilespmem:$0x28E0] =	vst @!p4 v7  }
0x90: {  	v7 =	vld @!p4 [tilespmem:s23+$0xFFFFFF30];
	_ =	sdelay $0x4  }
0x91: {  	vm0 =	vlt.s32 @!p4 v7, $0x400  }
0x92: {  	v7 =	vnsel @!p4 vm0, $0x400, v7  }
0x93: {  	s31 =	simm.s32 @!p4 $0x2880;
	s2 =	simm.s32 @!p4 $0x80;
	[tilespmem:$0x28F0] =	vst @!p4 v7  }
0x94: {  	[spmem:s3] =	stream.indirect.scatter.add.f32 @!p4 [tilespmem:s30], [sflag:$0x2], $0x80, s31, s2, $0xb8;
	[tilespmem:$0x1F480] =	vst v63  }
0x95: {  	s30 =	simm.s32 @!p4 $0x16C80  }
0x96: {  	[spmem:s4] =	stream.indirect.scatter.add.f32 @!p4 [tilespmem:s30], [sflag:$0x3], $0x80, s31, s2, $0xb8;
	[tilespmem:$0x1F480] =	vst v63  }
0x97: {  	s2 =	simm.s32 @!p3 $0x1  }
0x98: {  	_ =	swait.ge @!p3 [sflag:s2], $0x4000  }
0x99: {  	[sflag:s2] =	ssyncset.done @!p3 $0x0  }
0x9a: {  	[sflag:s2] =	ssyncadd.s32 @!p3 $0xFFFFC000  }
0x9b: {  	v7 =	vld @!p3 [tilespmem:s23+$0xFFFFFF40];
	_ =	sdelay $0x4  }
0x9c: {  	vm0 =	vlt.s32 @!p3 v7, $0x400  }
0x9d: {  	v7 =	vnsel @!p3 vm0, $0x400, v7  }
0x9e: {  	[tilespmem:$0x2900] =	vst @!p3 v7  }
0x9f: {  	v7 =	vld @!p3 [tilespmem:s23+$0xFFFFFF50];
	_ =	sdelay $0x4  }
0xa0: {  	vm0 =	vlt.s32 @!p3 v7, $0x400  }
0xa1: {  	v7 =	vnsel @!p3 vm0, $0x400, v7  }
0xa2: {  	[tilespmem:$0x2910] =	vst @!p3 v7  }
0xa3: {  	v7 =	vld @!p3 [tilespmem:s23+$0xFFFFFF60];
	_ =	sdelay $0x4  }
0xa4: {  	vm0 =	vlt.s32 @!p3 v7, $0x400  }
0xa5: {  	v7 =	vnsel @!p3 vm0, $0x400, v7  }
0xa6: {  	[tilespmem:$0x2920] =	vst @!p3 v7  }
0xa7: {  	v7 =	vld @!p3 [tilespmem:s23+$0xFFFFFF70];
	_ =	sdelay $0x4  }
0xa8: {  	vm0 =	vlt.s32 @!p3 v7, $0x400  }
0xa9: {  	v7 =	vnsel @!p3 vm0, $0x400, v7  }
0xaa: {  	[tilespmem:$0x2930] =	vst @!p3 v7  }
0xab: {  	v7 =	vld @!p3 [tilespmem:s23+$0xFFFFFF80];
	_ =	sdelay $0x4  }
0xac: {  	vm0 =	vlt.s32 @!p3 v7, $0x400  }
0xad: {  	v7 =	vnsel @!p3 vm0, $0x400, v7  }
0xae: {  	[tilespmem:$0x2940] =	vst @!p3 v7  }
0xaf: {  	v7 =	vld @!p3 [tilespmem:s23+$0xFFFFFF90];
	_ =	sdelay $0x4  }
0xb0: {  	vm0 =	vlt.s32 @!p3 v7, $0x400  }
0xb1: {  	v7 =	vnsel @!p3 vm0, $0x400, v7  }
0xb2: {  	[tilespmem:$0x2950] =	vst @!p3 v7  }
0xb3: {  	v7 =	vld @!p3 [tilespmem:s23+$0xFFFFFFA0];
	_ =	sdelay $0x4  }
0xb4: {  	vm0 =	vlt.s32 @!p3 v7, $0x400  }
0xb5: {  	v7 =	vnsel @!p3 vm0, $0x400, v7  }
0xb6: {  	[tilespmem:$0x2960] =	vst @!p3 v7  }
0xb7: {  	v7 =	vld @!p3 [tilespmem:s23+$0xFFFFFFB0];
	_ =	sdelay $0x4  }
0xb8: {  	vm0 =	vlt.s32 @!p3 v7, $0x400  }
0xb9: {  	v7 =	vnsel @!p3 vm0, $0x400, v7  }
0xba: {  	s30 =	simm.s32 @!p3 $0x2900;
	s2 =	simm.s32 @!p3 $0x80;
	[tilespmem:$0x2970] =	vst @!p3 v7  }
0xbb: {  	[spmem:s3] =	stream.indirect.scatter.add.f32 @!p3 [tilespmem:s29], [sflag:$0x2], $0x80, s30, s2, $0xb8;
	[tilespmem:$0x1F480] =	vst v63  }
0xbc: {  	s29 =	simm.s32 @!p3 $0x16C80  }
0xbd: {  	[spmem:s4] =	stream.indirect.scatter.add.f32 @!p3 [tilespmem:s29], [sflag:$0x3], $0x80, s30, s2, $0xb8;
	[tilespmem:$0x1F480] =	vst v63  }
0xbe: {  	s2 =	simm.s32 @!p2 $0x1  }
0xbf: {  	_ =	swait.ge @!p2 [sflag:s2], $0x4000  }
0xc0: {  	[sflag:s2] =	ssyncset.done @!p2 $0x0  }
0xc1: {  	[sflag:s2] =	ssyncadd.s32 @!p2 $0xFFFFC000  }
0xc2: {  	v7 =	vld @!p2 [tilespmem:s23+$0xFFFFFFC0];
	_ =	sdelay $0x4  }
0xc3: {  	vm0 =	vlt.s32 @!p2 v7, $0x400  }
0xc4: {  	v7 =	vnsel @!p2 vm0, $0x400, v7  }
0xc5: {  	[tilespmem:$0x2980] =	vst @!p2 v7  }
0xc6: {  	v7 =	vld @!p2 [tilespmem:s23+$0xFFFFFFD0];
	_ =	sdelay $0x4  }
0xc7: {  	vm0 =	vlt.s32 @!p2 v7, $0x400  }
0xc8: {  	v7 =	vnsel @!p2 vm0, $0x400, v7  }
0xc9: {  	[tilespmem:$0x2990] =	vst @!p2 v7  }
0xca: {  	v7 =	vld @!p2 [tilespmem:s23+$0xFFFFFFE0];
	_ =	sdelay $0x4  }
0xcb: {  	vm0 =	vlt.s32 @!p2 v7, $0x400  }
0xcc: {  	v7 =	vnsel @!p2 vm0, $0x400, v7  }
0xcd: {  	[tilespmem:$0x29A0] =	vst @!p2 v7  }
0xce: {  	v7 =	vld @!p2 [tilespmem:s23+$0xFFFFFFF0];
	_ =	sdelay $0x4  }
0xcf: {  	vm0 =	vlt.s32 @!p2 v7, $0x400  }
0xd0: {  	v7 =	vnsel @!p2 vm0, $0x400, v7  }
0xd1: {  	[tilespmem:$0x29B0] =	vst @!p2 v7  }
0xd2: {  	v7 =	vld @!p2 [tilespmem:s23+$0x0];
	_ =	sdelay $0x4  }
0xd3: {  	vm0 =	vlt.s32 @!p2 v7, $0x400  }
0xd4: {  	v7 =	vnsel @!p2 vm0, $0x400, v7  }
0xd5: {  	[tilespmem:$0x29C0] =	vst @!p2 v7  }
0xd6: {  	v7 =	vld @!p2 [tilespmem:s23+$0x10];
	_ =	sdelay $0x4  }
0xd7: {  	vm0 =	vlt.s32 @!p2 v7, $0x400  }
0xd8: {  	v7 =	vnsel @!p2 vm0, $0x400, v7  }
0xd9: {  	[tilespmem:$0x29D0] =	vst @!p2 v7  }
0xda: {  	v7 =	vld @!p2 [tilespmem:s23+$0x20];
	_ =	sdelay $0x4  }
0xdb: {  	vm0 =	vlt.s32 @!p2 v7, $0x400  }
0xdc: {  	v7 =	vnsel @!p2 vm0, $0x400, v7  }
0xdd: {  	[tilespmem:$0x29E0] =	vst @!p2 v7  }
0xde: {  	v7 =	vld @!p2 [tilespmem:s23+$0x30];
	_ =	sdelay $0x4  }
0xdf: {  	vm0 =	vlt.s32 @!p2 v7, $0x400  }
0xe0: {  	v7 =	vnsel @!p2 vm0, $0x400, v7  }
0xe1: {  	s29 =	simm.s32 @!p2 $0x2980;
	s2 =	simm.s32 @!p2 $0x80;
	[tilespmem:$0x29F0] =	vst @!p2 v7  }
0xe2: {  	[spmem:s3] =	stream.indirect.scatter.add.f32 @!p2 [tilespmem:s28], [sflag:$0x2], $0x80, s29, s2, $0xb8;
	[tilespmem:$0x1F480] =	vst v63  }
0xe3: {  	s28 =	simm.s32 @!p2 $0x16C80  }
0xe4: {  	[spmem:s4] =	stream.indirect.scatter.add.f32 @!p2 [tilespmem:s28], [sflag:$0x3], $0x80, s29, s2, $0xb8;
	[tilespmem:$0x1F480] =	vst v63  }
0xe5: {  	s2 =	simm.s32 @!p1 $0x1  }
0xe6: {  	_ =	swait.ge @!p1 [sflag:s2], $0x4000  }
0xe7: {  	[sflag:s2] =	ssyncset.done @!p1 $0x0  }
0xe8: {  	[sflag:s2] =	ssyncadd.s32 @!p1 $0xFFFFC000  }
0xe9: {  	v7 =	vld @!p1 [tilespmem:s23+$0x40];
	_ =	sdelay $0x4  }
0xea: {  	vm0 =	vlt.s32 @!p1 v7, $0x400  }
0xeb: {  	v7 =	vnsel @!p1 vm0, $0x400, v7  }
0xec: {  	[tilespmem:$0x2A00] =	vst @!p1 v7  }
0xed: {  	v7 =	vld @!p1 [tilespmem:s23+$0x50];
	_ =	sdelay $0x4  }
0xee: {  	vm0 =	vlt.s32 @!p1 v7, $0x400  }
0xef: {  	v7 =	vnsel @!p1 vm0, $0x400, v7  }
0xf0: {  	[tilespmem:$0x2A10] =	vst @!p1 v7  }
0xf1: {  	v7 =	vld @!p1 [tilespmem:s23+$0x60];
	_ =	sdelay $0x4  }
0xf2: {  	vm0 =	vlt.s32 @!p1 v7, $0x400  }
0xf3: {  	v7 =	vnsel @!p1 vm0, $0x400, v7  }
0xf4: {  	[tilespmem:$0x2A20] =	vst @!p1 v7  }
0xf5: {  	v7 =	vld @!p1 [tilespmem:s23+$0x70];
	_ =	sdelay $0x4  }
0xf6: {  	vm0 =	vlt.s32 @!p1 v7, $0x400  }
0xf7: {  	v7 =	vnsel @!p1 vm0, $0x400, v7  }
0xf8: {  	[tilespmem:$0x2A30] =	vst @!p1 v7  }
0xf9: {  	v7 =	vld @!p1 [tilespmem:s23+$0x80];
	_ =	sdelay $0x4  }
0xfa: {  	vm0 =	vlt.s32 @!p1 v7, $0x400  }
0xfb: {  	v7 =	vnsel @!p1 vm0, $0x400, v7  }
0xfc: {  	[tilespmem:$0x2A40] =	vst @!p1 v7  }
0xfd: {  	v7 =	vld @!p1 [tilespmem:s23+$0x90];
	_ =	sdelay $0x4  }
0xfe: {  	vm0 =	vlt.s32 @!p1 v7, $0x400  }
0xff: {  	v7 =	vnsel @!p1 vm0, $0x400, v7  }
0x100: {  	[tilespmem:$0x2A50] =	vst @!p1 v7  }
0x101: {  	v7 =	vld @!p1 [tilespmem:s23+$0xA0];
	_ =	sdelay $0x4  }
0x102: {  	vm0 =	vlt.s32 @!p1 v7, $0x400  }
0x103: {  	v7 =	vnsel @!p1 vm0, $0x400, v7  }
0x104: {  	[tilespmem:$0x2A60] =	vst @!p1 v7  }
0x105: {  	v7 =	vld @!p1 [tilespmem:s23+$0xB0];
	_ =	sdelay $0x4  }
0x106: {  	vm0 =	vlt.s32 @!p1 v7, $0x400  }
0x107: {  	v7 =	vnsel @!p1 vm0, $0x400, v7  }
0x108: {  	s28 =	simm.s32 @!p1 $0x2A00;
	s2 =	simm.s32 @!p1 $0x80;
	[tilespmem:$0x2A70] =	vst @!p1 v7  }
0x109: {  	[spmem:s3] =	stream.indirect.scatter.add.f32 @!p1 [tilespmem:s26], [sflag:$0x2], $0x80, s28, s2, $0xb8;
	[tilespmem:$0x1F480] =	vst v63  }
0x10a: {  	s26 =	simm.s32 @!p1 $0x16C80  }
0x10b: {  	[spmem:s4] =	stream.indirect.scatter.add.f32 @!p1 [tilespmem:s26], [sflag:$0x3], $0x80, s28, s2, $0xb8;
	[tilespmem:$0x1F480] =	vst v63  }
0x10c: {  	s2 =	simm.s32 @!p0 $0x1  }
0x10d: {  	_ =	swait.ge @!p0 [sflag:s2], $0x4000  }
0x10e: {  	[sflag:s2] =	ssyncset.done @!p0 $0x0  }
0x10f: {  	[sflag:s2] =	ssyncadd.s32 @!p0 $0xFFFFC000  }
0x110: {  	v7 =	vld @!p0 [tilespmem:s23+$0xC0];
	_ =	sdelay $0x4  }
0x111: {  	vm0 =	vlt.s32 @!p0 v7, $0x400  }
0x112: {  	v7 =	vnsel @!p0 vm0, $0x400, v7  }
0x113: {  	[tilespmem:$0x2A80] =	vst @!p0 v7  }
0x114: {  	v7 =	vld @!p0 [tilespmem:s23+$0xD0];
	_ =	sdelay $0x4  }
0x115: {  	vm0 =	vlt.s32 @!p0 v7, $0x400  }
0x116: {  	v7 =	vnsel @!p0 vm0, $0x400, v7  }
0x117: {  	[tilespmem:$0x2A90] =	vst @!p0 v7  }
0x118: {  	v7 =	vld @!p0 [tilespmem:s23+$0xE0];
	_ =	sdelay $0x4  }
0x119: {  	vm0 =	vlt.s32 @!p0 v7, $0x400  }
0x11a: {  	v7 =	vnsel @!p0 vm0, $0x400, v7  }
0x11b: {  	[tilespmem:$0x2AA0] =	vst @!p0 v7  }
0x11c: {  	v7 =	vld @!p0 [tilespmem:s23+$0xF0];
	_ =	sdelay $0x4  }
0x11d: {  	vm0 =	vlt.s32 @!p0 v7, $0x400  }
0x11e: {  	v7 =	vnsel @!p0 vm0, $0x400, v7  }
0x11f: {  	[tilespmem:$0x2AB0] =	vst @!p0 v7  }
0x120: {  	v7 =	vld @!p0 [tilespmem:s23+$0x100];
	_ =	sdelay $0x4  }
0x121: {  	vm0 =	vlt.s32 @!p0 v7, $0x400  }
0x122: {  	v7 =	vnsel @!p0 vm0, $0x400, v7  }
0x123: {  	[tilespmem:$0x2AC0] =	vst @!p0 v7  }
0x124: {  	v7 =	vld @!p0 [tilespmem:s23+$0x110];
	_ =	sdelay $0x4  }
0x125: {  	vm0 =	vlt.s32 @!p0 v7, $0x400  }
0x126: {  	v7 =	vnsel @!p0 vm0, $0x400, v7  }
0x127: {  	[tilespmem:$0x2AD0] =	vst @!p0 v7  }
0x128: {  	v7 =	vld @!p0 [tilespmem:s23+$0x120];
	_ =	sdelay $0x4  }
0x129: {  	vm0 =	vlt.s32 @!p0 v7, $0x400  }
0x12a: {  	v7 =	vnsel @!p0 vm0, $0x400, v7  }
0x12b: {  	[tilespmem:$0x2AE0] =	vst @!p0 v7  }
0x12c: {  	v7 =	vld @!p0 [tilespmem:s23+$0x130];
	_ =	sdelay $0x4  }
0x12d: {  	vm0 =	vlt.s32 @!p0 v7, $0x400  }
0x12e: {  	v7 =	vnsel @!p0 vm0, $0x400, v7  }
0x12f: {  	s26 =	simm.s32 @!p0 $0x2A80;
	s2 =	simm.s32 @!p0 $0x80;
	[tilespmem:$0x2AF0] =	vst @!p0 v7  }
0x130: {  	[spmem:s3] =	stream.indirect.scatter.add.f32 @!p0 [tilespmem:s25], [sflag:$0x2], $0x80, s26, s2, $0xb8;
	[tilespmem:$0x1F480] =	vst v63  }
0x131: {  	s25 =	simm.s32 @!p0 $0x16C80  }
0x132: {  	[spmem:s4] =	stream.indirect.scatter.add.f32 @!p0 [tilespmem:s25], [sflag:$0x3], $0x80, s26, s2, $0xb8;
	[tilespmem:$0x1F480] =	vst v63  }
0x133: {  	s2 =	simm.s32 @!p4 $0x2  }
0x134: {  	_ =	swait.ge @!p4 [sflag:s2], $0x4000  }
0x135: {  	[sflag:s2] =	ssyncset.done @!p4 $0x0  }
0x136: {  	[sflag:s2] =	ssyncadd.s32 @!p4 $0xFFFFC000;
	s2 =	simm.s32 @!p4 $0x3  }
0x137: {  	_ =	swait.ge @!p4 [sflag:s2], $0x4000  }
0x138: {  	[sflag:s2] =	ssyncset.done @!p4 $0x0  }
0x139: {  	[sflag:s2] =	ssyncadd.s32 @!p4 $0xFFFFC000;
	s2 =	simm.s32 @!p3 $0x2  }
0x13a: {  	_ =	swait.ge @!p3 [sflag:s2], $0x4000  }
0x13b: {  	[sflag:s2] =	ssyncset.done @!p3 $0x0  }
0x13c: {  	[sflag:s2] =	ssyncadd.s32 @!p3 $0xFFFFC000;
	s2 =	simm.s32 @!p3 $0x3  }
0x13d: {  	_ =	swait.ge @!p3 [sflag:s2], $0x4000  }
0x13e: {  	[sflag:s2] =	ssyncset.done @!p3 $0x0  }
0x13f: {  	[sflag:s2] =	ssyncadd.s32 @!p3 $0xFFFFC000;
	s2 =	simm.s32 @!p2 $0x2  }
0x140: {  	_ =	swait.ge @!p2 [sflag:s2], $0x4000  }
0x141: {  	[sflag:s2] =	ssyncset.done @!p2 $0x0  }
0x142: {  	[sflag:s2] =	ssyncadd.s32 @!p2 $0xFFFFC000;
	s2 =	simm.s32 @!p2 $0x3  }
0x143: {  	_ =	swait.ge @!p2 [sflag:s2], $0x4000  }
0x144: {  	[sflag:s2] =	ssyncset.done @!p2 $0x0  }
0x145: {  	[sflag:s2] =	ssyncadd.s32 @!p2 $0xFFFFC000;
	s2 =	simm.s32 @!p1 $0x2  }
0x146: {  	_ =	swait.ge @!p1 [sflag:s2], $0x4000  }
0x147: {  	[sflag:s2] =	ssyncset.done @!p1 $0x0  }
0x148: {  	[sflag:s2] =	ssyncadd.s32 @!p1 $0xFFFFC000;
	s2 =	simm.s32 @!p1 $0x3  }
0x149: {  	_ =	swait.ge @!p1 [sflag:s2], $0x4000  }
0x14a: {  	[sflag:s2] =	ssyncset.done @!p1 $0x0  }
0x14b: {  	s22 =	sadd.s32 $0x5, s22;
	[sflag:s2] =	ssyncadd.s32 @!p1 $0xFFFFC000;
	s2 =	simm.s32 @!p0 $0x2  }
0x14c: {  	p1 =	sne.s32 s22, $0x54;
	_ =	swait.ge @!p0 [sflag:s2], $0x4000  }
.Ltmp3:
0x14d: {  	[sflag:s2] =	ssyncset.done @!p0 $0x0;
	(pc) =	sbr.rel @p1 .LBB2_8-.Ltmp3, $4  }
0x14e: {  	[sflag:s2] =	ssyncadd.s32 @!p0 $0xFFFFC000;
	s2 =	simm.s32 @!p0 $0x3  }
0x14f: {  	_ =	swait.ge @!p0 [sflag:s2], $0x4000  }
0x150: {  	[sflag:s2] =	ssyncset.done @!p0 $0x0  }
0x151: {  	s24 =	sadd.s32 $0x50000, s24;
	s23 =	sadd.s32 $0x280, s23;
	[sflag:s2] =	ssyncadd.s32 @!p0 $0xFFFFC000  }
0x152: {  	s2 =	sshll.u32 s0, $0x6  }
0x153: {  	[bflag:$0x0] =	sbarrier.arrive $0xFFFF;
	s22 =	sshrl.u32 s6, $0x3;
	s31 =	sshrl.u32 s7, $0x3  }
0x154: {  	s20 =	sadd.s32 $0x1, s20;
	s21 =	sor.u32 $0x1C01, s2;
	s2 =	sor.u32 $0x1C02, s2  }
0x155: {  	[hbm:s9], [sflag:s21] =	dma.local [spmem:s22], $0x480  }
0x156: {  	[hbm:s10], [sflag:s2] =	dma.local [spmem:s31], $0x480  }
0x157: {  	p0 =	sne.s32 s20, s11;
	_ =	swait.ge [sflag:s18], $0x480  }
.Ltmp4:
0x158: {  	[sflag:s18] =	ssyncset.done $0x0;
	(pc) =	sbr.rel @p0 .LBB2_1-.Ltmp4, $4  }
0x159: {  	[sflag:s18] =	ssyncadd.s32 $0xFFFFFB80  }
0x15a: {  	_ =	swait.ge [sflag:s19], $0x480  }
0x15b: {  	[sflag:s19] =	ssyncset.done $0x0  }
0x15c: {  	[sflag:s19] =	ssyncadd.s32 $0xFFFFFB80  }
0x15d: {  	_ =	sfence.sel $0x180000  }
0x15e: {  	[bflag:$0x0] =	sbarrier.arrive $0xFFFF  }
0x15f: {  	_ =	strace $0x90000047  }
0x160: {  	[bflag:$0x2] =	sbarrier.arrive $0xFFFF  }
0x161: {  	p0 =	sne.s32 s0, $0x0;
	s0 =	rddreg [dreg:$0x5]  }
0x162: {  	s0 =	sadd.s32 @!p0 $0x100000, s0  }
0x163: {  	[sflag:s0] =	ssyncadd.tile.s32 @!p0 $0x1;
	_ =	shalt  }
.Lfunc_end2:
_tile_overlayer_lowered:
.L_overlay_start_2:
0x164: {  	(tag) =	ssettag $0x2  }
0x165: {  	s0 =	rddreg [dreg:$0x0];
	s2 =	stileid.u32  }
0x166: {  	s1 =	rddreg [dreg:$0x1];
	p0 =	sne.s32 s2, $0x0  }
0x167: {  	s3 =	rddreg [dreg:$0x2];
	[bflag:$0x3] =	sbarrier.arrive $0xFFFF;
	s2 =	simm.s32 @!p0 $0x1C05  }
0x168: {  	[timem:s3], [sflag:s2] =	dma.local @!p0 [hbm:s0], s1  }
0x169: {  	s0 =	simm.s32 @!p0 $0x5  }
0x16a: {  	_ =	swait.ge @!p0 [sflag:s0], s1  }
0x16b: {  	s1 =	ssub.s32 @!p0 $0x0, s1;
	[sflag:s0] =	ssyncset.done @!p0 $0x0  }
0x16c: {  	[sflag:s0] =	ssyncadd.s32 @!p0 s1  }
0x16d: {  	[bflag:$0x3] =	sbarrier.arrive $0xFFFF  }
0x16e: {  	_ =	shalt  }

</sc_bundles>
